<compile_context>
chip_gen: v7x
topology: tpu7x:2x2x1
jax: 0.10.2.dev20260603
libtpu: 0.0.44.dev20260713+nightly
codegen_flags: <defaults>
</compile_context>

<pallas_src>
import functools

import jax
import jax.numpy as jnp
from jax import lax
from jax.experimental import pallas as pl
from jax.experimental.pallas import tpu as pltpu
from jax.experimental.pallas import tpu_sc as plsc

N_NODES = 10000
D_FEAT = 128
HID = 64

NC = 2
NS = 16
NW = NC * NS
EB = 128
N_PAD = 10240
ROWS_PER_SUB = N_PAD // NS

_sc_params = pltpu.CompilerParams(use_tc_tiling_on_sc=False)


@functools.lru_cache(maxsize=1)
def _vec_mesh():
    return plsc.VectorSubcoreMesh(core_axis_name="c", subcore_axis_name="s")


def _agg_body(t_hbm, src_hbm, dst_hbm, z64_hbm, out_hbm,
              acc_sh, t_sh, src_v, dst_v, rows_v, sem):
    cid = lax.axis_index("c")
    sid = lax.axis_index("s")
    nb = src_v.shape[0]
    n_t = t_sh.shape[0]
    pltpu.sync_copy(z64_hbm.at[pl.ds(sid * ROWS_PER_SUB, ROWS_PER_SUB)],
                    acc_sh.at[pl.ds(sid * ROWS_PER_SUB, ROWS_PER_SUB)])
    t_rows = n_t // NS
    pltpu.sync_copy(t_hbm.at[pl.ds(sid * t_rows, t_rows)],
                    t_sh.at[pl.ds(sid * t_rows, t_rows)])
    plsc.subcore_barrier()
    pltpu.sync_copy(src_hbm.at[cid, sid], src_v)
    pltpu.sync_copy(dst_hbm.at[cid, sid], dst_v)

    @pl.loop(0, nb)
    def _(j):
        pltpu.async_copy(t_sh.at[src_v.at[j]], rows_v, sem).wait()
        pltpu.sync_copy(rows_v, acc_sh.at[dst_v.at[j]], add=True)

    plsc.subcore_barrier()
    pltpu.sync_copy(acc_sh.at[pl.ds(sid * ROWS_PER_SUB, ROWS_PER_SUB)],
                    out_hbm.at[cid, pl.ds(sid * ROWS_PER_SUB, ROWS_PER_SUB)])


def _agg_deg_body(t_hbm, src_hbm, dst_hbm, z64_hbm, z16_hbm, ones_hbm,
                  out_hbm, deg_hbm,
                  acc_sh, deg_sh, t_sh, src_v, dst_v, rows_v, ones_v, sem):
    cid = lax.axis_index("c")
    sid = lax.axis_index("s")
    nb = src_v.shape[0]
    n_t = t_sh.shape[0]
    pltpu.sync_copy(z64_hbm.at[pl.ds(sid * ROWS_PER_SUB, ROWS_PER_SUB)],
                    acc_sh.at[pl.ds(sid * ROWS_PER_SUB, ROWS_PER_SUB)])
    pltpu.sync_copy(z16_hbm.at[pl.ds(sid * ROWS_PER_SUB, ROWS_PER_SUB)],
                    deg_sh.at[pl.ds(sid * ROWS_PER_SUB, ROWS_PER_SUB)])
    t_rows = n_t // NS
    pltpu.sync_copy(t_hbm.at[pl.ds(sid * t_rows, t_rows)],
                    t_sh.at[pl.ds(sid * t_rows, t_rows)])
    pltpu.sync_copy(ones_hbm, ones_v)
    plsc.subcore_barrier()
    pltpu.sync_copy(src_hbm.at[cid, sid], src_v)
    pltpu.sync_copy(dst_hbm.at[cid, sid], dst_v)

    @pl.loop(0, nb)
    def _(j):
        pltpu.async_copy(t_sh.at[src_v.at[j]], rows_v, sem).wait()
        pltpu.sync_copy(rows_v, acc_sh.at[dst_v.at[j]], add=True)
        pltpu.sync_copy(ones_v, deg_sh.at[dst_v.at[j]], add=True)

    plsc.subcore_barrier()
    pltpu.sync_copy(acc_sh.at[pl.ds(sid * ROWS_PER_SUB, ROWS_PER_SUB)],
                    out_hbm.at[cid, pl.ds(sid * ROWS_PER_SUB, ROWS_PER_SUB)])
    pltpu.sync_copy(deg_sh.at[pl.ds(sid * ROWS_PER_SUB, ROWS_PER_SUB)],
                    deg_hbm.at[cid, pl.ds(sid * ROWS_PER_SUB, ROWS_PER_SUB)])


def _sc_aggregate(t, src_r, dst_r, zeros64, nb):
    k = pl.kernel(
        functools.partial(_agg_body),
        out_type=jax.ShapeDtypeStruct((NC, N_PAD, HID), jnp.float32),
        mesh=_vec_mesh(),
        compiler_params=_sc_params,
        scratch_types=[
            pltpu.VMEM_SHARED((N_PAD, HID), jnp.float32),
            pltpu.VMEM_SHARED((N_NODES, HID), jnp.float32),
            pltpu.VMEM((nb, EB), jnp.int32),
            pltpu.VMEM((nb, EB), jnp.int32),
            pltpu.VMEM((EB, HID), jnp.float32),
            pltpu.SemaphoreType.DMA,
        ],
    )
    return k(t, src_r, dst_r, zeros64)


def _sc_aggregate_deg(t, src_r, dst_r, zeros64, zeros16, ones, nb):
    k = pl.kernel(
        functools.partial(_agg_deg_body),
        out_type=[jax.ShapeDtypeStruct((NC, N_PAD, HID), jnp.float32),
                  jax.ShapeDtypeStruct((NC, N_PAD, 16), jnp.float32)],
        mesh=_vec_mesh(),
        compiler_params=_sc_params,
        scratch_types=[
            pltpu.VMEM_SHARED((N_PAD, HID), jnp.float32),
            pltpu.VMEM_SHARED((N_PAD, 16), jnp.float32),
            pltpu.VMEM_SHARED((N_NODES, HID), jnp.float32),
            pltpu.VMEM((nb, EB), jnp.int32),
            pltpu.VMEM((nb, EB), jnp.int32),
            pltpu.VMEM((EB, HID), jnp.float32),
            pltpu.VMEM((EB, 16), jnp.float32),
            pltpu.SemaphoreType.DMA,
        ],
    )
    return k(t, src_r, dst_r, zeros64, zeros16, ones)



def _enc_body(x_ref, qid_ref, rssi_ref, ap_ref, w1a_ref, w1b_ref, b1_ref,
              w2_ref, b2_ref, wn0x_ref, wn0z_ref, ws0x_ref, ws0z_ref, b0_ref,
              t0_ref, s0_ref):
    qid = qid_ref[...]
    nap = ap_ref.shape[0]
    oh = (qid == lax.broadcasted_iota(jnp.int32, (qid.shape[0], nap), 1))
    e = jnp.dot(oh.astype(jnp.float32), ap_ref[...],
                preferred_element_type=jnp.float32)
    h = jnp.dot(e, w1a_ref[...], preferred_element_type=jnp.float32)
    h = jax.nn.relu(h + rssi_ref[...] * w1b_ref[...] + b1_ref[...])
    h = jnp.dot(h, w2_ref[...], preferred_element_type=jnp.float32) + b2_ref[...]
    z_q = jnp.mean(h, axis=0, keepdims=True)
    ct = jnp.dot(z_q, wn0z_ref[...], preferred_element_type=jnp.float32)
    cs = jnp.dot(z_q, ws0z_ref[...], preferred_element_type=jnp.float32) + b0_ref[...]
    x = x_ref[...]
    t0_ref[...] = jnp.dot(x, wn0x_ref[...], preferred_element_type=jnp.float32) + ct
    s0_ref[...] = jnp.dot(x, ws0x_ref[...], preferred_element_type=jnp.float32) + cs


def _layer1_body(p_ref, deg_ref, s_prev_ref, wn_ref, ws_ref, b_ref,
                 t_ref, s_ref, invdeg_ref):
    deg = deg_ref[0, :N_NODES, 0:1] + deg_ref[1, :N_NODES, 0:1]
    invdeg = 1.0 / jnp.maximum(deg, 1.0)
    invdeg_ref[...] = invdeg
    a = (p_ref[0, :N_NODES, :] + p_ref[1, :N_NODES, :]) * invdeg
    h = jax.nn.relu(a + s_prev_ref[...])
    t_ref[...] = jnp.dot(h, wn_ref[...], preferred_element_type=jnp.float32)
    s_ref[...] = jnp.dot(h, ws_ref[...], preferred_element_type=jnp.float32) + b_ref[...]


def _layer2_body(p_ref, invdeg_ref, s_prev_ref, wn_ref, ws_ref, b_ref,
                 t_ref, s_ref):
    a = (p_ref[0, :N_NODES, :] + p_ref[1, :N_NODES, :]) * invdeg_ref[...]
    h = jax.nn.relu(a + s_prev_ref[...])
    t_ref[...] = jnp.dot(h, wn_ref[...], preferred_element_type=jnp.float32)
    s_ref[...] = jnp.dot(h, ws_ref[...], preferred_element_type=jnp.float32) + b_ref[...]


def _readout_body(p_ref, invdeg_ref, s_prev_ref, pos_ref,
                  w1_ref, b1_ref, w2_ref, b2_ref,
                  phat_ref, soft_ref):
    a = (p_ref[0, :N_NODES, :] + p_ref[1, :N_NODES, :]) * invdeg_ref[...]
    h = jax.nn.relu(a + s_prev_ref[...])
    u = jax.nn.relu(jnp.dot(h, w1_ref[...], preferred_element_type=jnp.float32)
                    + b1_ref[...])
    s = jnp.dot(u, w2_ref[...], preferred_element_type=jnp.float32) + b2_ref[...]
    m = jnp.max(s)
    ex = jnp.exp(s - m)
    soft = ex / jnp.sum(ex)
    soft_ref[...] = soft
    phat_ref[...] = jnp.sum(soft * pos_ref[...], axis=0, keepdims=True)


def _tc_call(body, out_shapes, *args):
    return pl.pallas_call(
        body,
        out_shape=out_shapes,
    )(*args)


def kernel(x, pos, edge_index, query_ap_ids, query_rssi, ap_emb,
           enc_W1, enc_b1, enc_W2, enc_b2,
           Wn0, Ws0, b0, Wn1, Ws1, b1, Wn2, Ws2, b2,
           sc_W1, sc_b1, sc_W2, sc_b2):
    N = x.shape[0]
    D = x.shape[1]
    E = edge_index.shape[1]
    n_q = query_ap_ids.shape[0]
    ap_emb_dim = ap_emb.shape[1]

    chunk = NW * EB * 2
    e_pad = ((E + chunk - 1) // chunk) * chunk
    nb = e_pad // (NW * EB)
    src = edge_index[0].astype(jnp.int32)
    dst = edge_index[1].astype(jnp.int32)
    pad = e_pad - E
    src_p = jnp.concatenate([src, jnp.zeros((pad,), jnp.int32)])
    dst_p = jnp.concatenate([dst, jnp.full((pad,), N, jnp.int32)])
    src_r = src_p.reshape(NC, NS, nb, EB)
    dst_r = dst_p.reshape(NC, NS, nb, EB)

    zeros64 = jnp.zeros((N_PAD, HID), jnp.float32)
    zeros16 = jnp.zeros((N_PAD, 16), jnp.float32)
    ones = jnp.ones((EB, 16), jnp.float32)

    t0, s0 = _tc_call(
        _enc_body,
        [jax.ShapeDtypeStruct((N, HID), jnp.float32),
         jax.ShapeDtypeStruct((N, HID), jnp.float32)],
        x, query_ap_ids.reshape(n_q, 1).astype(jnp.int32), query_rssi,
        ap_emb,
        enc_W1[:ap_emb_dim], enc_W1[ap_emb_dim:ap_emb_dim + 1],
        enc_b1.reshape(1, -1), enc_W2, enc_b2.reshape(1, -1),
        Wn0[:D], Wn0[D:], Ws0[:D], Ws0[D:], b0.reshape(1, -1))

    p0, deg = _sc_aggregate_deg(t0, src_r, dst_r, zeros64, zeros16, ones, nb)

    t1, s1, invdeg = _tc_call(
        _layer1_body,
        [jax.ShapeDtypeStruct((N, HID), jnp.float32),
         jax.ShapeDtypeStruct((N, HID), jnp.float32),
         jax.ShapeDtypeStruct((N, 1), jnp.float32)],
        p0, deg, s0, Wn1, Ws1, b1.reshape(1, -1))

    p1 = _sc_aggregate(t1, src_r, dst_r, zeros64, nb)

    t2, s2 = _tc_call(
        _layer2_body,
        [jax.ShapeDtypeStruct((N, HID), jnp.float32),
         jax.ShapeDtypeStruct((N, HID), jnp.float32)],
        p1, invdeg, s1, Wn2, Ws2, b2.reshape(1, -1))

    p2 = _sc_aggregate(t2, src_r, dst_r, zeros64, nb)

    phat, soft = _tc_call(
        _readout_body,
        [jax.ShapeDtypeStruct((1, 2), jnp.float32),
         jax.ShapeDtypeStruct((N, 1), jnp.float32)],
        p2, invdeg, s2, pos,
        sc_W1, sc_b1.reshape(1, -1), sc_W2, sc_b2.reshape(1, -1))

    return phat.reshape(2), soft.reshape(N)

# --- scband reference (transcript-rebuilt; emitter-appended) ---
"""Pipeline reference for scband-query-injected-gnn-85633057947771 (READ-ONLY COPY).

The authoritative reference and input builder live on the scoring server;
editing this copy changes nothing except your own understanding.
"""

import jax, jax.numpy as jnp
import numpy as np

N_NODES = 10000
N_EDGES = 320000
D_FEAT = 128
LATENT = 64
HIDDEN = 64
NUM_APS = 512
AP_EMB = 32
N_Q = 32


def setup_inputs(seed: int = 0) -> dict:
    key = jax.random.key(seed)
    ks = jax.random.split(key, 24)
    x = jax.random.normal(ks[0], (N_NODES, D_FEAT), jnp.float32)
    pos = jax.random.normal(ks[1], (N_NODES, 2), jnp.float32)
    edge_index = jax.random.randint(ks[2], (2, N_EDGES), 0, N_NODES)
    query_ap_ids = jax.random.randint(ks[3], (N_Q,), 0, NUM_APS)
    query_rssi = jax.random.normal(ks[4], (N_Q, 1), jnp.float32)
    def lin(k, fi, fo):
        return jax.random.normal(k, (fi, fo), jnp.float32) / np.sqrt(fi)
    params = {
        'ap_emb': 0.02 * jax.random.normal(ks[5], (NUM_APS, AP_EMB), jnp.float32),
        'enc_W1': lin(ks[6], AP_EMB + 1, LATENT), 'enc_b1': jnp.zeros((LATENT,), jnp.float32),
        'enc_W2': lin(ks[7], LATENT, LATENT), 'enc_b2': jnp.zeros((LATENT,), jnp.float32),
        'Wn0': lin(ks[8], D_FEAT + LATENT, HIDDEN), 'Ws0': lin(ks[9], D_FEAT + LATENT, HIDDEN), 'b0': jnp.zeros((HIDDEN,), jnp.float32),
        'Wn1': lin(ks[10], HIDDEN, HIDDEN), 'Ws1': lin(ks[11], HIDDEN, HIDDEN), 'b1': jnp.zeros((HIDDEN,), jnp.float32),
        'Wn2': lin(ks[12], HIDDEN, HIDDEN), 'Ws2': lin(ks[13], HIDDEN, HIDDEN), 'b2': jnp.zeros((HIDDEN,), jnp.float32),
        'sc_W1': lin(ks[14], HIDDEN, HIDDEN), 'sc_b1': jnp.zeros((HIDDEN,), jnp.float32),
        'sc_W2': lin(ks[15], HIDDEN, 1), 'sc_b2': jnp.zeros((1,), jnp.float32),
    }
    inp = {'x': x, 'pos': pos, 'edge_index': edge_index, 'query_ap_ids': query_ap_ids, 'query_rssi': query_rssi}
    inp.update(params)
    return inp


def reference(x, pos, edge_index, query_ap_ids, query_rssi, ap_emb, enc_W1, enc_b1, enc_W2, enc_b2, Wn0, Ws0, b0, Wn1, Ws1, b1, Wn2, Ws2, b2, sc_W1, sc_b1, sc_W2, sc_b2):
    # AP-wise encoder: embed AP ids, concat RSSI, 2-layer MLP, mean-pool over query APs
    e = jnp.take(ap_emb, query_ap_ids, axis=0)
    h = jnp.concatenate([e, query_rssi], axis=-1)
    h = jax.nn.relu(h @ enc_W1 + enc_b1)
    h = h @ enc_W2 + enc_b2
    z_q = jnp.mean(h, axis=0)  # (LATENT,)
    N = x.shape[0]
    # query injection: tile z_q to every node and concat
    xz = jnp.concatenate([x, jnp.broadcast_to(z_q[None, :], (N, z_q.shape[0]))], axis=-1)
    src = edge_index[0]
    dst = edge_index[1]
    deg = jax.ops.segment_sum(jnp.ones((src.shape[0],), jnp.float32), dst, num_segments=N)
    deg = jnp.maximum(deg, 1.0)[:, None]
    def sage(h, Wn, Ws, b):
        # mean aggregation of source features onto destination nodes
        agg = jax.ops.segment_sum(jnp.take(h, src, axis=0), dst, num_segments=N) / deg
        return agg @ Wn + h @ Ws + b
    h = jax.nn.relu(sage(xz, Wn0, Ws0, b0))
    h = jax.nn.relu(sage(h, Wn1, Ws1, b1))
    h = jax.nn.relu(sage(h, Wn2, Ws2, b2))
    # dropout is identity in eval mode
    s = (jax.nn.relu(h @ sc_W1 + sc_b1) @ sc_W2 + sc_b2)[:, 0]
    s_soft = jax.nn.softmax(s, axis=0)
    p_hat = jnp.sum(s_soft[:, None] * pos, axis=0)
    return (p_hat, s_soft)

if __name__ == "__main__":
    import jax
    _d = setup_inputs()
    print(jax.jit(kernel)(*tuple(_d.values())))

</pallas_src>

<mosaic_0001>
#map = affine_map<(d0, d1) -> (0, 0)>
#map1 = affine_map<(d0, d1) -> (0, 0, 0, 0)>
#map2 = affine_map<(d0, d1) -> (0, 0, 0)>
module attributes {stable_mosaic.version = 14 : i64} {
  func.func @_agg_deg_body(%arg0: i32, %arg1: i32, %arg2: memref<10000x64xf32, #tpu.memory_space<hbm>>, %arg3: memref<2x16x80x128xi32, #tpu.memory_space<hbm>>, %arg4: memref<2x16x80x128xi32, #tpu.memory_space<hbm>>, %arg5: memref<10240x64xf32, #tpu.memory_space<hbm>>, %arg6: memref<10240x16xf32, #tpu.memory_space<hbm>>, %arg7: memref<128x16xf32, #tpu.memory_space<hbm>>, %arg8: memref<2x10240x64xf32, #tpu.memory_space<hbm>>, %arg9: memref<2x10240x16xf32, #tpu.memory_space<hbm>>, %arg10: memref<10240x64xf32, #tpu.memory_space<vmem_shared>>, %arg11: memref<10240x16xf32, #tpu.memory_space<vmem_shared>>, %arg12: memref<10000x64xf32, #tpu.memory_space<vmem_shared>>, %arg13: memref<80x128xi32, #tpu.memory_space<vmem>>, %arg14: memref<80x128xi32, #tpu.memory_space<vmem>>, %arg15: memref<128x64xf32, #tpu.memory_space<vmem>>, %arg16: memref<128x16xf32, #tpu.memory_space<vmem>>, %arg17: memref<!tpu.dma_semaphore, #tpu.memory_space<semaphore_mem>>) attributes {dimension_semantics = [#tpu.dimension_semantics<core_parallel>, #tpu.dimension_semantics<subcore_parallel>], iteration_bounds = array<i64: 2, 16>, scalar_prefetch = 0 : i64, scratch_operands = 8 : i64, tpu.core_type = #tpu.core_type<sc_vector_subcore>, window_params = [{transform_indices = #map}, {transform_indices = #map1}, {transform_indices = #map1}, {transform_indices = #map}, {transform_indices = #map}, {transform_indices = #map}, {transform_indices = #map2}, {transform_indices = #map2}]} {
    %mul3A = arith.constant 640 : i32
    %mul3A_0 = arith.muli %arg1, %mul3A : i32
    %mul3A_1 = arith.constant 640 : i32
    %mul3A_2 = arith.muli %arg1, %mul3A_1 : i32
    "tpu.region"() ({
      %run_scoped3A = tpu.sem_alloc : memref<!tpu.dma_semaphore, #tpu.memory_space<semaphore_mem>>
      %dma_start3A = arith.constant 0 : i32
      %dma_start3A_24 = tpu.memref_slice %arg10[%mul3A_2, %dma_start3A] : memref<10240x64xf32, #tpu.memory_space<vmem_shared>> -> memref<640x64xf32, #tpu.memory_space<vmem_shared>>
      %dma_start3A_25 = arith.constant 0 : i32
      %dma_start3A_26 = tpu.memref_slice %arg5[%mul3A_0, %dma_start3A_25] : memref<10240x64xf32, #tpu.memory_space<hbm>> -> memref<640x64xf32, #tpu.memory_space<hbm>>
      tpu.enqueue_dma source(%dma_start3A_26 : memref<640x64xf32, #tpu.memory_space<hbm>>) target(%dma_start3A_24 : memref<640x64xf32, #tpu.memory_space<vmem_shared>>) target_semaphore(%run_scoped3A : memref<!tpu.dma_semaphore, #tpu.memory_space<semaphore_mem>>)
      %dma_wait3A = arith.constant 0 : i32
      %dma_wait3A_27 = tpu.memref_slice %arg10[%mul3A_2, %dma_wait3A] : memref<10240x64xf32, #tpu.memory_space<vmem_shared>> -> memref<640x64xf32, #tpu.memory_space<vmem_shared>>
      %dma_wait3A_28 = arith.constant 0 : i32
      %dma_wait3A_29 = tpu.memref_slice %arg5[%mul3A_0, %dma_wait3A_28] : memref<10240x64xf32, #tpu.memory_space<hbm>> -> memref<640x64xf32, #tpu.memory_space<hbm>>
      tpu.wait_dma2 semaphore(%run_scoped3A : memref<!tpu.dma_semaphore, #tpu.memory_space<semaphore_mem>>) src(%dma_wait3A_29 : memref<640x64xf32, #tpu.memory_space<hbm>>) dst(%dma_wait3A_27 : memref<640x64xf32, #tpu.memory_space<vmem_shared>>)
      tpu.yield
    }) : () -> ()
    %mul3A_3 = arith.constant 640 : i32
    %mul3A_4 = arith.muli %arg1, %mul3A_3 : i32
    %mul3A_5 = arith.constant 640 : i32
    %mul3A_6 = arith.muli %arg1, %mul3A_5 : i32
    "tpu.region"() ({
      %run_scoped3A = tpu.sem_alloc : memref<!tpu.dma_semaphore, #tpu.memory_space<semaphore_mem>>
      %dma_start3A = arith.constant 0 : i32
      %dma_start3A_24 = tpu.memref_slice %arg11[%mul3A_6, %dma_start3A] : memref<10240x16xf32, #tpu.memory_space<vmem_shared>> -> memref<640x16xf32, #tpu.memory_space<vmem_shared>>
      %dma_start3A_25 = arith.constant 0 : i32
      %dma_start3A_26 = tpu.memref_slice %arg6[%mul3A_4, %dma_start3A_25] : memref<10240x16xf32, #tpu.memory_space<hbm>> -> memref<640x16xf32, #tpu.memory_space<hbm>>
      tpu.enqueue_dma source(%dma_start3A_26 : memref<640x16xf32, #tpu.memory_space<hbm>>) target(%dma_start3A_24 : memref<640x16xf32, #tpu.memory_space<vmem_shared>>) target_semaphore(%run_scoped3A : memref<!tpu.dma_semaphore, #tpu.memory_space<semaphore_mem>>)
      %dma_wait3A = arith.constant 0 : i32
      %dma_wait3A_27 = tpu.memref_slice %arg11[%mul3A_6, %dma_wait3A] : memref<10240x16xf32, #tpu.memory_space<vmem_shared>> -> memref<640x16xf32, #tpu.memory_space<vmem_shared>>
      %dma_wait3A_28 = arith.constant 0 : i32
      %dma_wait3A_29 = tpu.memref_slice %arg6[%mul3A_4, %dma_wait3A_28] : memref<10240x16xf32, #tpu.memory_space<hbm>> -> memref<640x16xf32, #tpu.memory_space<hbm>>
      tpu.wait_dma2 semaphore(%run_scoped3A : memref<!tpu.dma_semaphore, #tpu.memory_space<semaphore_mem>>) src(%dma_wait3A_29 : memref<640x16xf32, #tpu.memory_space<hbm>>) dst(%dma_wait3A_27 : memref<640x16xf32, #tpu.memory_space<vmem_shared>>)
      tpu.yield
    }) : () -> ()
    %mul3A_7 = arith.constant 625 : i32
    %mul3A_8 = arith.muli %arg1, %mul3A_7 : i32
    %mul3A_9 = arith.constant 625 : i32
    %mul3A_10 = arith.muli %arg1, %mul3A_9 : i32
    "tpu.region"() ({
      %run_scoped3A = tpu.sem_alloc : memref<!tpu.dma_semaphore, #tpu.memory_space<semaphore_mem>>
      %dma_start3A = arith.constant 0 : i32
      %dma_start3A_24 = tpu.memref_slice %arg12[%mul3A_10, %dma_start3A] : memref<10000x64xf32, #tpu.memory_space<vmem_shared>> -> memref<625x64xf32, #tpu.memory_space<vmem_shared>>
      %dma_start3A_25 = arith.constant 0 : i32
      %dma_start3A_26 = tpu.memref_slice %arg2[%mul3A_8, %dma_start3A_25] : memref<10000x64xf32, #tpu.memory_space<hbm>> -> memref<625x64xf32, #tpu.memory_space<hbm>>
      tpu.enqueue_dma source(%dma_start3A_26 : memref<625x64xf32, #tpu.memory_space<hbm>>) target(%dma_start3A_24 : memref<625x64xf32, #tpu.memory_space<vmem_shared>>) target_semaphore(%run_scoped3A : memref<!tpu.dma_semaphore, #tpu.memory_space<semaphore_mem>>)
      %dma_wait3A = arith.constant 0 : i32
      %dma_wait3A_27 = tpu.memref_slice %arg12[%mul3A_10, %dma_wait3A] : memref<10000x64xf32, #tpu.memory_space<vmem_shared>> -> memref<625x64xf32, #tpu.memory_space<vmem_shared>>
      %dma_wait3A_28 = arith.constant 0 : i32
      %dma_wait3A_29 = tpu.memref_slice %arg2[%mul3A_8, %dma_wait3A_28] : memref<10000x64xf32, #tpu.memory_space<hbm>> -> memref<625x64xf32, #tpu.memory_space<hbm>>
      tpu.wait_dma2 semaphore(%run_scoped3A : memref<!tpu.dma_semaphore, #tpu.memory_space<semaphore_mem>>) src(%dma_wait3A_29 : memref<625x64xf32, #tpu.memory_space<hbm>>) dst(%dma_wait3A_27 : memref<625x64xf32, #tpu.memory_space<vmem_shared>>)
      tpu.yield
    }) : () -> ()
    "tpu.region"() ({
      %run_scoped3A = tpu.sem_alloc : memref<!tpu.dma_semaphore, #tpu.memory_space<semaphore_mem>>
      tpu.enqueue_dma source(%arg7 : memref<128x16xf32, #tpu.memory_space<hbm>>) target(%arg16 : memref<128x16xf32, #tpu.memory_space<vmem>>) target_semaphore(%run_scoped3A : memref<!tpu.dma_semaphore, #tpu.memory_space<semaphore_mem>>)
      tpu.wait_dma2 semaphore(%run_scoped3A : memref<!tpu.dma_semaphore, #tpu.memory_space<semaphore_mem>>) src(%arg7 : memref<128x16xf32, #tpu.memory_space<hbm>>) dst(%arg16 : memref<128x16xf32, #tpu.memory_space<vmem>>)
      tpu.yield
    }) : () -> ()
    %barrier3A = arith.constant 0 : index
    tpu.barrier barrier_id(%barrier3A)
    "tpu.region"() ({
      %run_scoped3A = tpu.sem_alloc : memref<!tpu.dma_semaphore, #tpu.memory_space<semaphore_mem>>
      %dma_start3A = arith.constant 0 : i32
      %dma_start3A_24 = arith.constant 0 : i32
      %dma_start3A_25 = tpu.memref_slice %arg3[%arg0, %arg1, %dma_start3A, %dma_start3A_24] : memref<2x16x80x128xi32, #tpu.memory_space<hbm>> -> memref<1x1x80x128xi32, #tpu.memory_space<hbm>>
      %dma_start3A_26 = tpu.memref_squeeze %dma_start3A_25 : memref<1x1x80x128xi32, #tpu.memory_space<hbm>> -> memref<80x128xi32, #tpu.memory_space<hbm>>
      %dma_start3A_27 = arith.constant 0 : i32
      %dma_start3A_28 = arith.constant 0 : i32
      %dma_start3A_29 = tpu.memref_slice %arg3[%arg0, %arg1, %dma_start3A_27, %dma_start3A_28] : memref<2x16x80x128xi32, #tpu.memory_space<hbm>> -> memref<1x1x80x128xi32, #tpu.memory_space<hbm>>
      %dma_start3A_30 = tpu.memref_squeeze %dma_start3A_29 : memref<1x1x80x128xi32, #tpu.memory_space<hbm>> -> memref<80x128xi32, #tpu.memory_space<hbm>>
      tpu.enqueue_dma source(%dma_start3A_30 : memref<80x128xi32, #tpu.memory_space<hbm>>) target(%arg13 : memref<80x128xi32, #tpu.memory_space<vmem>>) target_semaphore(%run_scoped3A : memref<!tpu.dma_semaphore, #tpu.memory_space<semaphore_mem>>)
      %dma_wait3A = arith.constant 0 : i32
      %dma_wait3A_31 = arith.constant 0 : i32
      %dma_wait3A_32 = tpu.memref_slice %arg3[%arg0, %arg1, %dma_wait3A, %dma_wait3A_31] : memref<2x16x80x128xi32, #tpu.memory_space<hbm>> -> memref<1x1x80x128xi32, #tpu.memory_space<hbm>>
      %dma_wait3A_33 = tpu.memref_squeeze %dma_wait3A_32 : memref<1x1x80x128xi32, #tpu.memory_space<hbm>> -> memref<80x128xi32, #tpu.memory_space<hbm>>
      %dma_wait3A_34 = arith.constant 0 : i32
      %dma_wait3A_35 = arith.constant 0 : i32
      %dma_wait3A_36 = tpu.memref_slice %arg3[%arg0, %arg1, %dma_wait3A_34, %dma_wait3A_35] : memref<2x16x80x128xi32, #tpu.memory_space<hbm>> -> memref<1x1x80x128xi32, #tpu.memory_space<hbm>>
      %dma_wait3A_37 = tpu.memref_squeeze %dma_wait3A_36 : memref<1x1x80x128xi32, #tpu.memory_space<hbm>> -> memref<80x128xi32, #tpu.memory_space<hbm>>
      tpu.wait_dma2 semaphore(%run_scoped3A : memref<!tpu.dma_semaphore, #tpu.memory_space<semaphore_mem>>) src(%dma_wait3A_37 : memref<80x128xi32, #tpu.memory_space<hbm>>) dst(%arg13 : memref<80x128xi32, #tpu.memory_space<vmem>>)
      tpu.yield
    }) : () -> ()
    "tpu.region"() ({
      %run_scoped3A = tpu.sem_alloc : memref<!tpu.dma_semaphore, #tpu.memory_space<semaphore_mem>>
      %dma_start3A = arith.constant 0 : i32
      %dma_start3A_24 = arith.constant 0 : i32
      %dma_start3A_25 = tpu.memref_slice %arg4[%arg0, %arg1, %dma_start3A, %dma_start3A_24] : memref<2x16x80x128xi32, #tpu.memory_space<hbm>> -> memref<1x1x80x128xi32, #tpu.memory_space<hbm>>
      %dma_start3A_26 = tpu.memref_squeeze %dma_start3A_25 : memref<1x1x80x128xi32, #tpu.memory_space<hbm>> -> memref<80x128xi32, #tpu.memory_space<hbm>>
      %dma_start3A_27 = arith.constant 0 : i32
      %dma_start3A_28 = arith.constant 0 : i32
      %dma_start3A_29 = tpu.memref_slice %arg4[%arg0, %arg1, %dma_start3A_27, %dma_start3A_28] : memref<2x16x80x128xi32, #tpu.memory_space<hbm>> -> memref<1x1x80x128xi32, #tpu.memory_space<hbm>>
      %dma_start3A_30 = tpu.memref_squeeze %dma_start3A_29 : memref<1x1x80x128xi32, #tpu.memory_space<hbm>> -> memref<80x128xi32, #tpu.memory_space<hbm>>
      tpu.enqueue_dma source(%dma_start3A_30 : memref<80x128xi32, #tpu.memory_space<hbm>>) target(%arg14 : memref<80x128xi32, #tpu.memory_space<vmem>>) target_semaphore(%run_scoped3A : memref<!tpu.dma_semaphore, #tpu.memory_space<semaphore_mem>>)
      %dma_wait3A = arith.constant 0 : i32
      %dma_wait3A_31 = arith.constant 0 : i32
      %dma_wait3A_32 = tpu.memref_slice %arg4[%arg0, %arg1, %dma_wait3A, %dma_wait3A_31] : memref<2x16x80x128xi32, #tpu.memory_space<hbm>> -> memref<1x1x80x128xi32, #tpu.memory_space<hbm>>
      %dma_wait3A_33 = tpu.memref_squeeze %dma_wait3A_32 : memref<1x1x80x128xi32, #tpu.memory_space<hbm>> -> memref<80x128xi32, #tpu.memory_space<hbm>>
      %dma_wait3A_34 = arith.constant 0 : i32
      %dma_wait3A_35 = arith.constant 0 : i32
      %dma_wait3A_36 = tpu.memref_slice %arg4[%arg0, %arg1, %dma_wait3A_34, %dma_wait3A_35] : memref<2x16x80x128xi32, #tpu.memory_space<hbm>> -> memref<1x1x80x128xi32, #tpu.memory_space<hbm>>
      %dma_wait3A_37 = tpu.memref_squeeze %dma_wait3A_36 : memref<1x1x80x128xi32, #tpu.memory_space<hbm>> -> memref<80x128xi32, #tpu.memory_space<hbm>>
      tpu.wait_dma2 semaphore(%run_scoped3A : memref<!tpu.dma_semaphore, #tpu.memory_space<semaphore_mem>>) src(%dma_wait3A_37 : memref<80x128xi32, #tpu.memory_space<hbm>>) dst(%arg14 : memref<80x128xi32, #tpu.memory_space<vmem>>)
      tpu.yield
    }) : () -> ()
    %scan3A = arith.constant 0 : i32
    %scan3A_11 = arith.constant 80 : i32
    %scan3A_12 = arith.addi %scan3A, %scan3A_11 : i32
    %scan3A_13 = arith.constant 1 : i32
    scf.for %scan3A_24 = %scan3A to %scan3A_12 step %scan3A_13  : i32 {
      %mul3A_25 = arith.constant 1 : i32
      %mul3A_26 = arith.muli %scan3A_24, %mul3A_25 : i32
      %add3A = arith.constant 0 : i32
      %add3A_27 = arith.addi %add3A, %mul3A_26 : i32
      %dma_start3A = arith.constant 0 : i32
      %dma_start3A_28 = tpu.memref_slice %arg13[%add3A_27, %dma_start3A] : memref<80x128xi32, #tpu.memory_space<vmem>> -> memref<1x128xi32, #tpu.memory_space<vmem>>
      %dma_start3A_29 = tpu.memref_squeeze %dma_start3A_28 : memref<1x128xi32, #tpu.memory_space<vmem>> -> memref<128xi32, #tpu.memory_space<vmem>>
      %dma_start3A_30 = arith.constant 0 : i32
      %dma_start3A_31 = arith.constant 0 : i32
      %dma_start3A_32 = tpu.memref_slice %arg12[%dma_start3A_30, %dma_start3A_31] : memref<10000x64xf32, #tpu.memory_space<vmem_shared>> -> memref<10000x64xf32, #tpu.memory_space<vmem_shared>>
      tpu.enqueue_indirect_dma source(%dma_start3A_32 : memref<10000x64xf32, #tpu.memory_space<vmem_shared>>) target(%arg15 : memref<128x64xf32, #tpu.memory_space<vmem>>) offsets(%dma_start3A_29 : memref<128xi32, #tpu.memory_space<vmem>>) semaphore(%arg17 : memref<!tpu.dma_semaphore, #tpu.memory_space<semaphore_mem>>)
      %dma_wait3A = arith.constant 0 : i32
      %dma_wait3A_33 = tpu.memref_slice %arg13[%add3A_27, %dma_wait3A] : memref<80x128xi32, #tpu.memory_space<vmem>> -> memref<1x128xi32, #tpu.memory_space<vmem>>
      %dma_wait3A_34 = tpu.memref_squeeze %dma_wait3A_33 : memref<1x128xi32, #tpu.memory_space<vmem>> -> memref<128xi32, #tpu.memory_space<vmem>>
      %dma_wait3A_35 = arith.constant 0 : i32
      %dma_wait3A_36 = arith.constant 0 : i32
      %dma_wait3A_37 = tpu.memref_slice %arg12[%dma_wait3A_35, %dma_wait3A_36] : memref<10000x64xf32, #tpu.memory_space<vmem_shared>> -> memref<10000x64xf32, #tpu.memory_space<vmem_shared>>
      tpu.wait_indirect_dma semaphore(%arg17 : memref<!tpu.dma_semaphore, #tpu.memory_space<semaphore_mem>>) src(%dma_wait3A_37 : memref<10000x64xf32, #tpu.memory_space<vmem_shared>>) dst(%arg15 : memref<128x64xf32, #tpu.memory_space<vmem>>)
      "tpu.region"() ({
        %run_scoped3A = tpu.sem_alloc : memref<!tpu.dma_semaphore, #tpu.memory_space<semaphore_mem>>
        %dma_start3A_38 = arith.constant 0 : i32
        %dma_start3A_39 = tpu.memref_slice %arg14[%add3A_27, %dma_start3A_38] : memref<80x128xi32, #tpu.memory_space<vmem>> -> memref<1x128xi32, #tpu.memory_space<vmem>>
        %dma_start3A_40 = tpu.memref_squeeze %dma_start3A_39 : memref<1x128xi32, #tpu.memory_space<vmem>> -> memref<128xi32, #tpu.memory_space<vmem>>
        %dma_start3A_41 = arith.constant 0 : i32
        %dma_start3A_42 = arith.constant 0 : i32
        %dma_start3A_43 = tpu.memref_slice %arg10[%dma_start3A_41, %dma_start3A_42] : memref<10240x64xf32, #tpu.memory_space<vmem_shared>> -> memref<10240x64xf32, #tpu.memory_space<vmem_shared>>
        tpu.enqueue_indirect_dma source(%arg15 : memref<128x64xf32, #tpu.memory_space<vmem>>) target(%dma_start3A_43 : memref<10240x64xf32, #tpu.memory_space<vmem_shared>>) offsets(%dma_start3A_40 : memref<128xi32, #tpu.memory_space<vmem>>) semaphore(%run_scoped3A : memref<!tpu.dma_semaphore, #tpu.memory_space<semaphore_mem>>) {add = true}
        %dma_wait3A_44 = arith.constant 0 : i32
        %dma_wait3A_45 = tpu.memref_slice %arg14[%add3A_27, %dma_wait3A_44] : memref<80x128xi32, #tpu.memory_space<vmem>> -> memref<1x128xi32, #tpu.memory_space<vmem>>
        %dma_wait3A_46 = tpu.memref_squeeze %dma_wait3A_45 : memref<1x128xi32, #tpu.memory_space<vmem>> -> memref<128xi32, #tpu.memory_space<vmem>>
        %dma_wait3A_47 = arith.constant 0 : i32
        %dma_wait3A_48 = arith.constant 0 : i32
        %dma_wait3A_49 = tpu.memref_slice %arg10[%dma_wait3A_47, %dma_wait3A_48] : memref<10240x64xf32, #tpu.memory_space<vmem_shared>> -> memref<10240x64xf32, #tpu.memory_space<vmem_shared>>
        tpu.wait_indirect_dma semaphore(%run_scoped3A : memref<!tpu.dma_semaphore, #tpu.memory_space<semaphore_mem>>) src(%arg15 : memref<128x64xf32, #tpu.memory_space<vmem>>) dst(%dma_wait3A_49 : memref<10240x64xf32, #tpu.memory_space<vmem_shared>>)
        tpu.yield
      }) : () -> ()
      "tpu.region"() ({
        %run_scoped3A = tpu.sem_alloc : memref<!tpu.dma_semaphore, #tpu.memory_space<semaphore_mem>>
        %dma_start3A_38 = arith.constant 0 : i32
        %dma_start3A_39 = tpu.memref_slice %arg14[%add3A_27, %dma_start3A_38] : memref<80x128xi32, #tpu.memory_space<vmem>> -> memref<1x128xi32, #tpu.memory_space<vmem>>
        %dma_start3A_40 = tpu.memref_squeeze %dma_start3A_39 : memref<1x128xi32, #tpu.memory_space<vmem>> -> memref<128xi32, #tpu.memory_space<vmem>>
        %dma_start3A_41 = arith.constant 0 : i32
        %dma_start3A_42 = arith.constant 0 : i32
        %dma_start3A_43 = tpu.memref_slice %arg11[%dma_start3A_41, %dma_start3A_42] : memref<10240x16xf32, #tpu.memory_space<vmem_shared>> -> memref<10240x16xf32, #tpu.memory_space<vmem_shared>>
        tpu.enqueue_indirect_dma source(%arg16 : memref<128x16xf32, #tpu.memory_space<vmem>>) target(%dma_start3A_43 : memref<10240x16xf32, #tpu.memory_space<vmem_shared>>) offsets(%dma_start3A_40 : memref<128xi32, #tpu.memory_space<vmem>>) semaphore(%run_scoped3A : memref<!tpu.dma_semaphore, #tpu.memory_space<semaphore_mem>>) {add = true}
        %dma_wait3A_44 = arith.constant 0 : i32
        %dma_wait3A_45 = tpu.memref_slice %arg14[%add3A_27, %dma_wait3A_44] : memref<80x128xi32, #tpu.memory_space<vmem>> -> memref<1x128xi32, #tpu.memory_space<vmem>>
        %dma_wait3A_46 = tpu.memref_squeeze %dma_wait3A_45 : memref<1x128xi32, #tpu.memory_space<vmem>> -> memref<128xi32, #tpu.memory_space<vmem>>
        %dma_wait3A_47 = arith.constant 0 : i32
        %dma_wait3A_48 = arith.constant 0 : i32
        %dma_wait3A_49 = tpu.memref_slice %arg11[%dma_wait3A_47, %dma_wait3A_48] : memref<10240x16xf32, #tpu.memory_space<vmem_shared>> -> memref<10240x16xf32, #tpu.memory_space<vmem_shared>>
        tpu.wait_indirect_dma semaphore(%run_scoped3A : memref<!tpu.dma_semaphore, #tpu.memory_space<semaphore_mem>>) src(%arg16 : memref<128x16xf32, #tpu.memory_space<vmem>>) dst(%dma_wait3A_49 : memref<10240x16xf32, #tpu.memory_space<vmem_shared>>)
        tpu.yield
      }) : () -> ()
    }
    %scan3A_14 = arith.constant 80 : i32
    %barrier3A_15 = arith.constant 0 : index
    tpu.barrier barrier_id(%barrier3A_15)
    %mul3A_16 = arith.constant 640 : i32
    %mul3A_17 = arith.muli %arg1, %mul3A_16 : i32
    %mul3A_18 = arith.constant 640 : i32
    %mul3A_19 = arith.muli %arg1, %mul3A_18 : i32
    "tpu.region"() ({
      %run_scoped3A = tpu.sem_alloc : memref<!tpu.dma_semaphore, #tpu.memory_space<semaphore_mem>>
      %dma_start3A = arith.constant 0 : i32
      %dma_start3A_24 = tpu.memref_slice %arg8[%arg0, %mul3A_19, %dma_start3A] : memref<2x10240x64xf32, #tpu.memory_space<hbm>> -> memref<1x640x64xf32, #tpu.memory_space<hbm>>
      %dma_start3A_25 = tpu.memref_squeeze %dma_start3A_24 : memref<1x640x64xf32, #tpu.memory_space<hbm>> -> memref<640x64xf32, #tpu.memory_space<hbm>>
      %dma_start3A_26 = arith.constant 0 : i32
      %dma_start3A_27 = tpu.memref_slice %arg10[%mul3A_17, %dma_start3A_26] : memref<10240x64xf32, #tpu.memory_space<vmem_shared>> -> memref<640x64xf32, #tpu.memory_space<vmem_shared>>
      tpu.enqueue_dma source(%dma_start3A_27 : memref<640x64xf32, #tpu.memory_space<vmem_shared>>) target(%dma_start3A_25 : memref<640x64xf32, #tpu.memory_space<hbm>>) target_semaphore(%run_scoped3A : memref<!tpu.dma_semaphore, #tpu.memory_space<semaphore_mem>>)
      %dma_wait3A = arith.constant 0 : i32
      %dma_wait3A_28 = tpu.memref_slice %arg8[%arg0, %mul3A_19, %dma_wait3A] : memref<2x10240x64xf32, #tpu.memory_space<hbm>> -> memref<1x640x64xf32, #tpu.memory_space<hbm>>
      %dma_wait3A_29 = tpu.memref_squeeze %dma_wait3A_28 : memref<1x640x64xf32, #tpu.memory_space<hbm>> -> memref<640x64xf32, #tpu.memory_space<hbm>>
      %dma_wait3A_30 = arith.constant 0 : i32
      %dma_wait3A_31 = tpu.memref_slice %arg10[%mul3A_17, %dma_wait3A_30] : memref<10240x64xf32, #tpu.memory_space<vmem_shared>> -> memref<640x64xf32, #tpu.memory_space<vmem_shared>>
      tpu.wait_dma2 semaphore(%run_scoped3A : memref<!tpu.dma_semaphore, #tpu.memory_space<semaphore_mem>>) src(%dma_wait3A_31 : memref<640x64xf32, #tpu.memory_space<vmem_shared>>) dst(%dma_wait3A_29 : memref<640x64xf32, #tpu.memory_space<hbm>>)
      tpu.yield
    }) : () -> ()
    %mul3A_20 = arith.constant 640 : i32
    %mul3A_21 = arith.muli %arg1, %mul3A_20 : i32
    %mul3A_22 = arith.constant 640 : i32
    %mul3A_23 = arith.muli %arg1, %mul3A_22 : i32
    "tpu.region"() ({
      %run_scoped3A = tpu.sem_alloc : memref<!tpu.dma_semaphore, #tpu.memory_space<semaphore_mem>>
      %dma_start3A = arith.constant 0 : i32
      %dma_start3A_24 = tpu.memref_slice %arg9[%arg0, %mul3A_23, %dma_start3A] : memref<2x10240x16xf32, #tpu.memory_space<hbm>> -> memref<1x640x16xf32, #tpu.memory_space<hbm>>
      %dma_start3A_25 = tpu.memref_squeeze %dma_start3A_24 : memref<1x640x16xf32, #tpu.memory_space<hbm>> -> memref<640x16xf32, #tpu.memory_space<hbm>>
      %dma_start3A_26 = arith.constant 0 : i32
      %dma_start3A_27 = tpu.memref_slice %arg11[%mul3A_21, %dma_start3A_26] : memref<10240x16xf32, #tpu.memory_space<vmem_shared>> -> memref<640x16xf32, #tpu.memory_space<vmem_shared>>
      tpu.enqueue_dma source(%dma_start3A_27 : memref<640x16xf32, #tpu.memory_space<vmem_shared>>) target(%dma_start3A_25 : memref<640x16xf32, #tpu.memory_space<hbm>>) target_semaphore(%run_scoped3A : memref<!tpu.dma_semaphore, #tpu.memory_space<semaphore_mem>>)
      %dma_wait3A = arith.constant 0 : i32
      %dma_wait3A_28 = tpu.memref_slice %arg9[%arg0, %mul3A_23, %dma_wait3A] : memref<2x10240x16xf32, #tpu.memory_space<hbm>> -> memref<1x640x16xf32, #tpu.memory_space<hbm>>
      %dma_wait3A_29 = tpu.memref_squeeze %dma_wait3A_28 : memref<1x640x16xf32, #tpu.memory_space<hbm>> -> memref<640x16xf32, #tpu.memory_space<hbm>>
      %dma_wait3A_30 = arith.constant 0 : i32
      %dma_wait3A_31 = tpu.memref_slice %arg11[%mul3A_21, %dma_wait3A_30] : memref<10240x16xf32, #tpu.memory_space<vmem_shared>> -> memref<640x16xf32, #tpu.memory_space<vmem_shared>>
      tpu.wait_dma2 semaphore(%run_scoped3A : memref<!tpu.dma_semaphore, #tpu.memory_space<semaphore_mem>>) src(%dma_wait3A_31 : memref<640x16xf32, #tpu.memory_space<vmem_shared>>) dst(%dma_wait3A_29 : memref<640x16xf32, #tpu.memory_space<hbm>>)
      tpu.yield
    }) : () -> ()
    return
  }
}

#map = affine_map<(d0, d1) -> (0, 0)>
#map1 = affine_map<(d0, d1) -> (0, 0, 0, 0)>
#map2 = affine_map<(d0, d1) -> (0, 0, 0)>
module attributes {stable_mosaic.version = 14 : i64} {
  func.func @_agg_body(%arg0: i32, %arg1: i32, %arg2: memref<10000x64xf32, #tpu.memory_space<hbm>>, %arg3: memref<2x16x80x128xi32, #tpu.memory_space<hbm>>, %arg4: memref<2x16x80x128xi32, #tpu.memory_space<hbm>>, %arg5: memref<10240x64xf32, #tpu.memory_space<hbm>>, %arg6: memref<2x10240x64xf32, #tpu.memory_space<hbm>>, %arg7: memref<10240x64xf32, #tpu.memory_space<vmem_shared>>, %arg8: memref<10000x64xf32, #tpu.memory_space<vmem_shared>>, %arg9: memref<80x128xi32, #tpu.memory_space<vmem>>, %arg10: memref<80x128xi32, #tpu.memory_space<vmem>>, %arg11: memref<128x64xf32, #tpu.memory_space<vmem>>, %arg12: memref<!tpu.dma_semaphore, #tpu.memory_space<semaphore_mem>>) attributes {dimension_semantics = [#tpu.dimension_semantics<core_parallel>, #tpu.dimension_semantics<subcore_parallel>], iteration_bounds = array<i64: 2, 16>, scalar_prefetch = 0 : i64, scratch_operands = 6 : i64, tpu.core_type = #tpu.core_type<sc_vector_subcore>, window_params = [{transform_indices = #map}, {transform_indices = #map1}, {transform_indices = #map1}, {transform_indices = #map}, {transform_indices = #map2}]} {
    %mul3A = arith.constant 640 : i32
    %mul3A_0 = arith.muli %arg1, %mul3A : i32
    %mul3A_1 = arith.constant 640 : i32
    %mul3A_2 = arith.muli %arg1, %mul3A_1 : i32
    "tpu.region"() ({
      %run_scoped3A = tpu.sem_alloc : memref<!tpu.dma_semaphore, #tpu.memory_space<semaphore_mem>>
      %dma_start3A = arith.constant 0 : i32
      %dma_start3A_16 = tpu.memref_slice %arg7[%mul3A_2, %dma_start3A] : memref<10240x64xf32, #tpu.memory_space<vmem_shared>> -> memref<640x64xf32, #tpu.memory_space<vmem_shared>>
      %dma_start3A_17 = arith.constant 0 : i32
      %dma_start3A_18 = tpu.memref_slice %arg5[%mul3A_0, %dma_start3A_17] : memref<10240x64xf32, #tpu.memory_space<hbm>> -> memref<640x64xf32, #tpu.memory_space<hbm>>
      tpu.enqueue_dma source(%dma_start3A_18 : memref<640x64xf32, #tpu.memory_space<hbm>>) target(%dma_start3A_16 : memref<640x64xf32, #tpu.memory_space<vmem_shared>>) target_semaphore(%run_scoped3A : memref<!tpu.dma_semaphore, #tpu.memory_space<semaphore_mem>>)
      %dma_wait3A = arith.constant 0 : i32
      %dma_wait3A_19 = tpu.memref_slice %arg7[%mul3A_2, %dma_wait3A] : memref<10240x64xf32, #tpu.memory_space<vmem_shared>> -> memref<640x64xf32, #tpu.memory_space<vmem_shared>>
      %dma_wait3A_20 = arith.constant 0 : i32
      %dma_wait3A_21 = tpu.memref_slice %arg5[%mul3A_0, %dma_wait3A_20] : memref<10240x64xf32, #tpu.memory_space<hbm>> -> memref<640x64xf32, #tpu.memory_space<hbm>>
      tpu.wait_dma2 semaphore(%run_scoped3A : memref<!tpu.dma_semaphore, #tpu.memory_space<semaphore_mem>>) src(%dma_wait3A_21 : memref<640x64xf32, #tpu.memory_space<hbm>>) dst(%dma_wait3A_19 : memref<640x64xf32, #tpu.memory_space<vmem_shared>>)
      tpu.yield
    }) : () -> ()
    %mul3A_3 = arith.constant 625 : i32
    %mul3A_4 = arith.muli %arg1, %mul3A_3 : i32
    %mul3A_5 = arith.constant 625 : i32
    %mul3A_6 = arith.muli %arg1, %mul3A_5 : i32
    "tpu.region"() ({
      %run_scoped3A = tpu.sem_alloc : memref<!tpu.dma_semaphore, #tpu.memory_space<semaphore_mem>>
      %dma_start3A = arith.constant 0 : i32
      %dma_start3A_16 = tpu.memref_slice %arg8[%mul3A_6, %dma_start3A] : memref<10000x64xf32, #tpu.memory_space<vmem_shared>> -> memref<625x64xf32, #tpu.memory_space<vmem_shared>>
      %dma_start3A_17 = arith.constant 0 : i32
      %dma_start3A_18 = tpu.memref_slice %arg2[%mul3A_4, %dma_start3A_17] : memref<10000x64xf32, #tpu.memory_space<hbm>> -> memref<625x64xf32, #tpu.memory_space<hbm>>
      tpu.enqueue_dma source(%dma_start3A_18 : memref<625x64xf32, #tpu.memory_space<hbm>>) target(%dma_start3A_16 : memref<625x64xf32, #tpu.memory_space<vmem_shared>>) target_semaphore(%run_scoped3A : memref<!tpu.dma_semaphore, #tpu.memory_space<semaphore_mem>>)
      %dma_wait3A = arith.constant 0 : i32
      %dma_wait3A_19 = tpu.memref_slice %arg8[%mul3A_6, %dma_wait3A] : memref<10000x64xf32, #tpu.memory_space<vmem_shared>> -> memref<625x64xf32, #tpu.memory_space<vmem_shared>>
      %dma_wait3A_20 = arith.constant 0 : i32
      %dma_wait3A_21 = tpu.memref_slice %arg2[%mul3A_4, %dma_wait3A_20] : memref<10000x64xf32, #tpu.memory_space<hbm>> -> memref<625x64xf32, #tpu.memory_space<hbm>>
      tpu.wait_dma2 semaphore(%run_scoped3A : memref<!tpu.dma_semaphore, #tpu.memory_space<semaphore_mem>>) src(%dma_wait3A_21 : memref<625x64xf32, #tpu.memory_space<hbm>>) dst(%dma_wait3A_19 : memref<625x64xf32, #tpu.memory_space<vmem_shared>>)
      tpu.yield
    }) : () -> ()
    %barrier3A = arith.constant 0 : index
    tpu.barrier barrier_id(%barrier3A)
    "tpu.region"() ({
      %run_scoped3A = tpu.sem_alloc : memref<!tpu.dma_semaphore, #tpu.memory_space<semaphore_mem>>
      %dma_start3A = arith.constant 0 : i32
      %dma_start3A_16 = arith.constant 0 : i32
      %dma_start3A_17 = tpu.memref_slice %arg3[%arg0, %arg1, %dma_start3A, %dma_start3A_16] : memref<2x16x80x128xi32, #tpu.memory_space<hbm>> -> memref<1x1x80x128xi32, #tpu.memory_space<hbm>>
      %dma_start3A_18 = tpu.memref_squeeze %dma_start3A_17 : memref<1x1x80x128xi32, #tpu.memory_space<hbm>> -> memref<80x128xi32, #tpu.memory_space<hbm>>
      %dma_start3A_19 = arith.constant 0 : i32
      %dma_start3A_20 = arith.constant 0 : i32
      %dma_start3A_21 = tpu.memref_slice %arg3[%arg0, %arg1, %dma_start3A_19, %dma_start3A_20] : memref<2x16x80x128xi32, #tpu.memory_space<hbm>> -> memref<1x1x80x128xi32, #tpu.memory_space<hbm>>
      %dma_start3A_22 = tpu.memref_squeeze %dma_start3A_21 : memref<1x1x80x128xi32, #tpu.memory_space<hbm>> -> memref<80x128xi32, #tpu.memory_space<hbm>>
      tpu.enqueue_dma source(%dma_start3A_22 : memref<80x128xi32, #tpu.memory_space<hbm>>) target(%arg9 : memref<80x128xi32, #tpu.memory_space<vmem>>) target_semaphore(%run_scoped3A : memref<!tpu.dma_semaphore, #tpu.memory_space<semaphore_mem>>)
      %dma_wait3A = arith.constant 0 : i32
      %dma_wait3A_23 = arith.constant 0 : i32
      %dma_wait3A_24 = tpu.memref_slice %arg3[%arg0, %arg1, %dma_wait3A, %dma_wait3A_23] : memref<2x16x80x128xi32, #tpu.memory_space<hbm>> -> memref<1x1x80x128xi32, #tpu.memory_space<hbm>>
      %dma_wait3A_25 = tpu.memref_squeeze %dma_wait3A_24 : memref<1x1x80x128xi32, #tpu.memory_space<hbm>> -> memref<80x128xi32, #tpu.memory_space<hbm>>
      %dma_wait3A_26 = arith.constant 0 : i32
      %dma_wait3A_27 = arith.constant 0 : i32
      %dma_wait3A_28 = tpu.memref_slice %arg3[%arg0, %arg1, %dma_wait3A_26, %dma_wait3A_27] : memref<2x16x80x128xi32, #tpu.memory_space<hbm>> -> memref<1x1x80x128xi32, #tpu.memory_space<hbm>>
      %dma_wait3A_29 = tpu.memref_squeeze %dma_wait3A_28 : memref<1x1x80x128xi32, #tpu.memory_space<hbm>> -> memref<80x128xi32, #tpu.memory_space<hbm>>
      tpu.wait_dma2 semaphore(%run_scoped3A : memref<!tpu.dma_semaphore, #tpu.memory_space<semaphore_mem>>) src(%dma_wait3A_29 : memref<80x128xi32, #tpu.memory_space<hbm>>) dst(%arg9 : memref<80x128xi32, #tpu.memory_space<vmem>>)
      tpu.yield
    }) : () -> ()
    "tpu.region"() ({
      %run_scoped3A = tpu.sem_alloc : memref<!tpu.dma_semaphore, #tpu.memory_space<semaphore_mem>>
      %dma_start3A = arith.constant 0 : i32
      %dma_start3A_16 = arith.constant 0 : i32
      %dma_start3A_17 = tpu.memref_slice %arg4[%arg0, %arg1, %dma_start3A, %dma_start3A_16] : memref<2x16x80x128xi32, #tpu.memory_space<hbm>> -> memref<1x1x80x128xi32, #tpu.memory_space<hbm>>
      %dma_start3A_18 = tpu.memref_squeeze %dma_start3A_17 : memref<1x1x80x128xi32, #tpu.memory_space<hbm>> -> memref<80x128xi32, #tpu.memory_space<hbm>>
      %dma_start3A_19 = arith.constant 0 : i32
      %dma_start3A_20 = arith.constant 0 : i32
      %dma_start3A_21 = tpu.memref_slice %arg4[%arg0, %arg1, %dma_start3A_19, %dma_start3A_20] : memref<2x16x80x128xi32, #tpu.memory_space<hbm>> -> memref<1x1x80x128xi32, #tpu.memory_space<hbm>>
      %dma_start3A_22 = tpu.memref_squeeze %dma_start3A_21 : memref<1x1x80x128xi32, #tpu.memory_space<hbm>> -> memref<80x128xi32, #tpu.memory_space<hbm>>
      tpu.enqueue_dma source(%dma_start3A_22 : memref<80x128xi32, #tpu.memory_space<hbm>>) target(%arg10 : memref<80x128xi32, #tpu.memory_space<vmem>>) target_semaphore(%run_scoped3A : memref<!tpu.dma_semaphore, #tpu.memory_space<semaphore_mem>>)
      %dma_wait3A = arith.constant 0 : i32
      %dma_wait3A_23 = arith.constant 0 : i32
      %dma_wait3A_24 = tpu.memref_slice %arg4[%arg0, %arg1, %dma_wait3A, %dma_wait3A_23] : memref<2x16x80x128xi32, #tpu.memory_space<hbm>> -> memref<1x1x80x128xi32, #tpu.memory_space<hbm>>
      %dma_wait3A_25 = tpu.memref_squeeze %dma_wait3A_24 : memref<1x1x80x128xi32, #tpu.memory_space<hbm>> -> memref<80x128xi32, #tpu.memory_space<hbm>>
      %dma_wait3A_26 = arith.constant 0 : i32
      %dma_wait3A_27 = arith.constant 0 : i32
      %dma_wait3A_28 = tpu.memref_slice %arg4[%arg0, %arg1, %dma_wait3A_26, %dma_wait3A_27] : memref<2x16x80x128xi32, #tpu.memory_space<hbm>> -> memref<1x1x80x128xi32, #tpu.memory_space<hbm>>
      %dma_wait3A_29 = tpu.memref_squeeze %dma_wait3A_28 : memref<1x1x80x128xi32, #tpu.memory_space<hbm>> -> memref<80x128xi32, #tpu.memory_space<hbm>>
      tpu.wait_dma2 semaphore(%run_scoped3A : memref<!tpu.dma_semaphore, #tpu.memory_space<semaphore_mem>>) src(%dma_wait3A_29 : memref<80x128xi32, #tpu.memory_space<hbm>>) dst(%arg10 : memref<80x128xi32, #tpu.memory_space<vmem>>)
      tpu.yield
    }) : () -> ()
    %scan3A = arith.constant 0 : i32
    %scan3A_7 = arith.constant 80 : i32
    %scan3A_8 = arith.addi %scan3A, %scan3A_7 : i32
    %scan3A_9 = arith.constant 1 : i32
    scf.for %scan3A_16 = %scan3A to %scan3A_8 step %scan3A_9  : i32 {
      %mul3A_17 = arith.constant 1 : i32
      %mul3A_18 = arith.muli %scan3A_16, %mul3A_17 : i32
      %add3A = arith.constant 0 : i32
      %add3A_19 = arith.addi %add3A, %mul3A_18 : i32
      %dma_start3A = arith.constant 0 : i32
      %dma_start3A_20 = tpu.memref_slice %arg9[%add3A_19, %dma_start3A] : memref<80x128xi32, #tpu.memory_space<vmem>> -> memref<1x128xi32, #tpu.memory_space<vmem>>
      %dma_start3A_21 = tpu.memref_squeeze %dma_start3A_20 : memref<1x128xi32, #tpu.memory_space<vmem>> -> memref<128xi32, #tpu.memory_space<vmem>>
      %dma_start3A_22 = arith.constant 0 : i32
      %dma_start3A_23 = arith.constant 0 : i32
      %dma_start3A_24 = tpu.memref_slice %arg8[%dma_start3A_22, %dma_start3A_23] : memref<10000x64xf32, #tpu.memory_space<vmem_shared>> -> memref<10000x64xf32, #tpu.memory_space<vmem_shared>>
      tpu.enqueue_indirect_dma source(%dma_start3A_24 : memref<10000x64xf32, #tpu.memory_space<vmem_shared>>) target(%arg11 : memref<128x64xf32, #tpu.memory_space<vmem>>) offsets(%dma_start3A_21 : memref<128xi32, #tpu.memory_space<vmem>>) semaphore(%arg12 : memref<!tpu.dma_semaphore, #tpu.memory_space<semaphore_mem>>)
      %dma_wait3A = arith.constant 0 : i32
      %dma_wait3A_25 = tpu.memref_slice %arg9[%add3A_19, %dma_wait3A] : memref<80x128xi32, #tpu.memory_space<vmem>> -> memref<1x128xi32, #tpu.memory_space<vmem>>
      %dma_wait3A_26 = tpu.memref_squeeze %dma_wait3A_25 : memref<1x128xi32, #tpu.memory_space<vmem>> -> memref<128xi32, #tpu.memory_space<vmem>>
      %dma_wait3A_27 = arith.constant 0 : i32
      %dma_wait3A_28 = arith.constant 0 : i32
      %dma_wait3A_29 = tpu.memref_slice %arg8[%dma_wait3A_27, %dma_wait3A_28] : memref<10000x64xf32, #tpu.memory_space<vmem_shared>> -> memref<10000x64xf32, #tpu.memory_space<vmem_shared>>
      tpu.wait_indirect_dma semaphore(%arg12 : memref<!tpu.dma_semaphore, #tpu.memory_space<semaphore_mem>>) src(%dma_wait3A_29 : memref<10000x64xf32, #tpu.memory_space<vmem_shared>>) dst(%arg11 : memref<128x64xf32, #tpu.memory_space<vmem>>)
      "tpu.region"() ({
        %run_scoped3A = tpu.sem_alloc : memref<!tpu.dma_semaphore, #tpu.memory_space<semaphore_mem>>
        %dma_start3A_30 = arith.constant 0 : i32
        %dma_start3A_31 = tpu.memref_slice %arg10[%add3A_19, %dma_start3A_30] : memref<80x128xi32, #tpu.memory_space<vmem>> -> memref<1x128xi32, #tpu.memory_space<vmem>>
        %dma_start3A_32 = tpu.memref_squeeze %dma_start3A_31 : memref<1x128xi32, #tpu.memory_space<vmem>> -> memref<128xi32, #tpu.memory_space<vmem>>
        %dma_start3A_33 = arith.constant 0 : i32
        %dma_start3A_34 = arith.constant 0 : i32
        %dma_start3A_35 = tpu.memref_slice %arg7[%dma_start3A_33, %dma_start3A_34] : memref<10240x64xf32, #tpu.memory_space<vmem_shared>> -> memref<10240x64xf32, #tpu.memory_space<vmem_shared>>
        tpu.enqueue_indirect_dma source(%arg11 : memref<128x64xf32, #tpu.memory_space<vmem>>) target(%dma_start3A_35 : memref<10240x64xf32, #tpu.memory_space<vmem_shared>>) offsets(%dma_start3A_32 : memref<128xi32, #tpu.memory_space<vmem>>) semaphore(%run_scoped3A : memref<!tpu.dma_semaphore, #tpu.memory_space<semaphore_mem>>) {add = true}
        %dma_wait3A_36 = arith.constant 0 : i32
        %dma_wait3A_37 = tpu.memref_slice %arg10[%add3A_19, %dma_wait3A_36] : memref<80x128xi32, #tpu.memory_space<vmem>> -> memref<1x128xi32, #tpu.memory_space<vmem>>
        %dma_wait3A_38 = tpu.memref_squeeze %dma_wait3A_37 : memref<1x128xi32, #tpu.memory_space<vmem>> -> memref<128xi32, #tpu.memory_space<vmem>>
        %dma_wait3A_39 = arith.constant 0 : i32
        %dma_wait3A_40 = arith.constant 0 : i32
        %dma_wait3A_41 = tpu.memref_slice %arg7[%dma_wait3A_39, %dma_wait3A_40] : memref<10240x64xf32, #tpu.memory_space<vmem_shared>> -> memref<10240x64xf32, #tpu.memory_space<vmem_shared>>
        tpu.wait_indirect_dma semaphore(%run_scoped3A : memref<!tpu.dma_semaphore, #tpu.memory_space<semaphore_mem>>) src(%arg11 : memref<128x64xf32, #tpu.memory_space<vmem>>) dst(%dma_wait3A_41 : memref<10240x64xf32, #tpu.memory_space<vmem_shared>>)
        tpu.yield
      }) : () -> ()
    }
    %scan3A_10 = arith.constant 80 : i32
    %barrier3A_11 = arith.constant 0 : index
    tpu.barrier barrier_id(%barrier3A_11)
    %mul3A_12 = arith.constant 640 : i32
    %mul3A_13 = arith.muli %arg1, %mul3A_12 : i32
    %mul3A_14 = arith.constant 640 : i32
    %mul3A_15 = arith.muli %arg1, %mul3A_14 : i32
    "tpu.region"() ({
      %run_scoped3A = tpu.sem_alloc : memref<!tpu.dma_semaphore, #tpu.memory_space<semaphore_mem>>
      %dma_start3A = arith.constant 0 : i32
      %dma_start3A_16 = tpu.memref_slice %arg6[%arg0, %mul3A_15, %dma_start3A] : memref<2x10240x64xf32, #tpu.memory_space<hbm>> -> memref<1x640x64xf32, #tpu.memory_space<hbm>>
      %dma_start3A_17 = tpu.memref_squeeze %dma_start3A_16 : memref<1x640x64xf32, #tpu.memory_space<hbm>> -> memref<640x64xf32, #tpu.memory_space<hbm>>
      %dma_start3A_18 = arith.constant 0 : i32
      %dma_start3A_19 = tpu.memref_slice %arg7[%mul3A_13, %dma_start3A_18] : memref<10240x64xf32, #tpu.memory_space<vmem_shared>> -> memref<640x64xf32, #tpu.memory_space<vmem_shared>>
      tpu.enqueue_dma source(%dma_start3A_19 : memref<640x64xf32, #tpu.memory_space<vmem_shared>>) target(%dma_start3A_17 : memref<640x64xf32, #tpu.memory_space<hbm>>) target_semaphore(%run_scoped3A : memref<!tpu.dma_semaphore, #tpu.memory_space<semaphore_mem>>)
      %dma_wait3A = arith.constant 0 : i32
      %dma_wait3A_20 = tpu.memref_slice %arg6[%arg0, %mul3A_15, %dma_wait3A] : memref<2x10240x64xf32, #tpu.memory_space<hbm>> -> memref<1x640x64xf32, #tpu.memory_space<hbm>>
      %dma_wait3A_21 = tpu.memref_squeeze %dma_wait3A_20 : memref<1x640x64xf32, #tpu.memory_space<hbm>> -> memref<640x64xf32, #tpu.memory_space<hbm>>
      %dma_wait3A_22 = arith.constant 0 : i32
      %dma_wait3A_23 = tpu.memref_slice %arg7[%mul3A_13, %dma_wait3A_22] : memref<10240x64xf32, #tpu.memory_space<vmem_shared>> -> memref<640x64xf32, #tpu.memory_space<vmem_shared>>
      tpu.wait_dma2 semaphore(%run_scoped3A : memref<!tpu.dma_semaphore, #tpu.memory_space<semaphore_mem>>) src(%dma_wait3A_23 : memref<640x64xf32, #tpu.memory_space<vmem_shared>>) dst(%dma_wait3A_21 : memref<640x64xf32, #tpu.memory_space<hbm>>)
      tpu.yield
    }) : () -> ()
    return
  }
}

#map = affine_map<(d0, d1) -> (0, 0)>
#map1 = affine_map<(d0, d1) -> (0, 0, 0, 0)>
#map2 = affine_map<(d0, d1) -> (0, 0, 0)>
module attributes {stable_mosaic.version = 14 : i64} {
  func.func @_agg_body(%arg0: i32, %arg1: i32, %arg2: memref<10000x64xf32, #tpu.memory_space<hbm>>, %arg3: memref<2x16x80x128xi32, #tpu.memory_space<hbm>>, %arg4: memref<2x16x80x128xi32, #tpu.memory_space<hbm>>, %arg5: memref<10240x64xf32, #tpu.memory_space<hbm>>, %arg6: memref<2x10240x64xf32, #tpu.memory_space<hbm>>, %arg7: memref<10240x64xf32, #tpu.memory_space<vmem_shared>>, %arg8: memref<10000x64xf32, #tpu.memory_space<vmem_shared>>, %arg9: memref<80x128xi32, #tpu.memory_space<vmem>>, %arg10: memref<80x128xi32, #tpu.memory_space<vmem>>, %arg11: memref<128x64xf32, #tpu.memory_space<vmem>>, %arg12: memref<!tpu.dma_semaphore, #tpu.memory_space<semaphore_mem>>) attributes {dimension_semantics = [#tpu.dimension_semantics<core_parallel>, #tpu.dimension_semantics<subcore_parallel>], iteration_bounds = array<i64: 2, 16>, scalar_prefetch = 0 : i64, scratch_operands = 6 : i64, tpu.core_type = #tpu.core_type<sc_vector_subcore>, window_params = [{transform_indices = #map}, {transform_indices = #map1}, {transform_indices = #map1}, {transform_indices = #map}, {transform_indices = #map2}]} {
    %mul3A = arith.constant 640 : i32
    %mul3A_0 = arith.muli %arg1, %mul3A : i32
    %mul3A_1 = arith.constant 640 : i32
    %mul3A_2 = arith.muli %arg1, %mul3A_1 : i32
    "tpu.region"() ({
      %run_scoped3A = tpu.sem_alloc : memref<!tpu.dma_semaphore, #tpu.memory_space<semaphore_mem>>
      %dma_start3A = arith.constant 0 : i32
      %dma_start3A_16 = tpu.memref_slice %arg7[%mul3A_2, %dma_start3A] : memref<10240x64xf32, #tpu.memory_space<vmem_shared>> -> memref<640x64xf32, #tpu.memory_space<vmem_shared>>
      %dma_start3A_17 = arith.constant 0 : i32
      %dma_start3A_18 = tpu.memref_slice %arg5[%mul3A_0, %dma_start3A_17] : memref<10240x64xf32, #tpu.memory_space<hbm>> -> memref<640x64xf32, #tpu.memory_space<hbm>>
      tpu.enqueue_dma source(%dma_start3A_18 : memref<640x64xf32, #tpu.memory_space<hbm>>) target(%dma_start3A_16 : memref<640x64xf32, #tpu.memory_space<vmem_shared>>) target_semaphore(%run_scoped3A : memref<!tpu.dma_semaphore, #tpu.memory_space<semaphore_mem>>)
      %dma_wait3A = arith.constant 0 : i32
      %dma_wait3A_19 = tpu.memref_slice %arg7[%mul3A_2, %dma_wait3A] : memref<10240x64xf32, #tpu.memory_space<vmem_shared>> -> memref<640x64xf32, #tpu.memory_space<vmem_shared>>
      %dma_wait3A_20 = arith.constant 0 : i32
      %dma_wait3A_21 = tpu.memref_slice %arg5[%mul3A_0, %dma_wait3A_20] : memref<10240x64xf32, #tpu.memory_space<hbm>> -> memref<640x64xf32, #tpu.memory_space<hbm>>
      tpu.wait_dma2 semaphore(%run_scoped3A : memref<!tpu.dma_semaphore, #tpu.memory_space<semaphore_mem>>) src(%dma_wait3A_21 : memref<640x64xf32, #tpu.memory_space<hbm>>) dst(%dma_wait3A_19 : memref<640x64xf32, #tpu.memory_space<vmem_shared>>)
      tpu.yield
    }) : () -> ()
    %mul3A_3 = arith.constant 625 : i32
    %mul3A_4 = arith.muli %arg1, %mul3A_3 : i32
    %mul3A_5 = arith.constant 625 : i32
    %mul3A_6 = arith.muli %arg1, %mul3A_5 : i32
    "tpu.region"() ({
      %run_scoped3A = tpu.sem_alloc : memref<!tpu.dma_semaphore, #tpu.memory_space<semaphore_mem>>
      %dma_start3A = arith.constant 0 : i32
      %dma_start3A_16 = tpu.memref_slice %arg8[%mul3A_6, %dma_start3A] : memref<10000x64xf32, #tpu.memory_space<vmem_shared>> -> memref<625x64xf32, #tpu.memory_space<vmem_shared>>
      %dma_start3A_17 = arith.constant 0 : i32
      %dma_start3A_18 = tpu.memref_slice %arg2[%mul3A_4, %dma_start3A_17] : memref<10000x64xf32, #tpu.memory_space<hbm>> -> memref<625x64xf32, #tpu.memory_space<hbm>>
      tpu.enqueue_dma source(%dma_start3A_18 : memref<625x64xf32, #tpu.memory_space<hbm>>) target(%dma_start3A_16 : memref<625x64xf32, #tpu.memory_space<vmem_shared>>) target_semaphore(%run_scoped3A : memref<!tpu.dma_semaphore, #tpu.memory_space<semaphore_mem>>)
      %dma_wait3A = arith.constant 0 : i32
      %dma_wait3A_19 = tpu.memref_slice %arg8[%mul3A_6, %dma_wait3A] : memref<10000x64xf32, #tpu.memory_space<vmem_shared>> -> memref<625x64xf32, #tpu.memory_space<vmem_shared>>
      %dma_wait3A_20 = arith.constant 0 : i32
      %dma_wait3A_21 = tpu.memref_slice %arg2[%mul3A_4, %dma_wait3A_20] : memref<10000x64xf32, #tpu.memory_space<hbm>> -> memref<625x64xf32, #tpu.memory_space<hbm>>
      tpu.wait_dma2 semaphore(%run_scoped3A : memref<!tpu.dma_semaphore, #tpu.memory_space<semaphore_mem>>) src(%dma_wait3A_21 : memref<625x64xf32, #tpu.memory_space<hbm>>) dst(%dma_wait3A_19 : memref<625x64xf32, #tpu.memory_space<vmem_shared>>)
      tpu.yield
    }) : () -> ()
    %barrier3A = arith.constant 0 : index
    tpu.barrier barrier_id(%barrier3A)
    "tpu.region"() ({
      %run_scoped3A = tpu.sem_alloc : memref<!tpu.dma_semaphore, #tpu.memory_space<semaphore_mem>>
      %dma_start3A = arith.constant 0 : i32
      %dma_start3A_16 = arith.constant 0 : i32
      %dma_start3A_17 = tpu.memref_slice %arg3[%arg0, %arg1, %dma_start3A, %dma_start3A_16] : memref<2x16x80x128xi32, #tpu.memory_space<hbm>> -> memref<1x1x80x128xi32, #tpu.memory_space<hbm>>
      %dma_start3A_18 = tpu.memref_squeeze %dma_start3A_17 : memref<1x1x80x128xi32, #tpu.memory_space<hbm>> -> memref<80x128xi32, #tpu.memory_space<hbm>>
      %dma_start3A_19 = arith.constant 0 : i32
      %dma_start3A_20 = arith.constant 0 : i32
      %dma_start3A_21 = tpu.memref_slice %arg3[%arg0, %arg1, %dma_start3A_19, %dma_start3A_20] : memref<2x16x80x128xi32, #tpu.memory_space<hbm>> -> memref<1x1x80x128xi32, #tpu.memory_space<hbm>>
      %dma_start3A_22 = tpu.memref_squeeze %dma_start3A_21 : memref<1x1x80x128xi32, #tpu.memory_space<hbm>> -> memref<80x128xi32, #tpu.memory_space<hbm>>
      tpu.enqueue_dma source(%dma_start3A_22 : memref<80x128xi32, #tpu.memory_space<hbm>>) target(%arg9 : memref<80x128xi32, #tpu.memory_space<vmem>>) target_semaphore(%run_scoped3A : memref<!tpu.dma_semaphore, #tpu.memory_space<semaphore_mem>>)
      %dma_wait3A = arith.constant 0 : i32
      %dma_wait3A_23 = arith.constant 0 : i32
      %dma_wait3A_24 = tpu.memref_slice %arg3[%arg0, %arg1, %dma_wait3A, %dma_wait3A_23] : memref<2x16x80x128xi32, #tpu.memory_space<hbm>> -> memref<1x1x80x128xi32, #tpu.memory_space<hbm>>
      %dma_wait3A_25 = tpu.memref_squeeze %dma_wait3A_24 : memref<1x1x80x128xi32, #tpu.memory_space<hbm>> -> memref<80x128xi32, #tpu.memory_space<hbm>>
      %dma_wait3A_26 = arith.constant 0 : i32
      %dma_wait3A_27 = arith.constant 0 : i32
      %dma_wait3A_28 = tpu.memref_slice %arg3[%arg0, %arg1, %dma_wait3A_26, %dma_wait3A_27] : memref<2x16x80x128xi32, #tpu.memory_space<hbm>> -> memref<1x1x80x128xi32, #tpu.memory_space<hbm>>
      %dma_wait3A_29 = tpu.memref_squeeze %dma_wait3A_28 : memref<1x1x80x128xi32, #tpu.memory_space<hbm>> -> memref<80x128xi32, #tpu.memory_space<hbm>>
      tpu.wait_dma2 semaphore(%run_scoped3A : memref<!tpu.dma_semaphore, #tpu.memory_space<semaphore_mem>>) src(%dma_wait3A_29 : memref<80x128xi32, #tpu.memory_space<hbm>>) dst(%arg9 : memref<80x128xi32, #tpu.memory_space<vmem>>)
      tpu.yield
    }) : () -> ()
    "tpu.region"() ({
      %run_scoped3A = tpu.sem_alloc : memref<!tpu.dma_semaphore, #tpu.memory_space<semaphore_mem>>
      %dma_start3A = arith.constant 0 : i32
      %dma_start3A_16 = arith.constant 0 : i32
      %dma_start3A_17 = tpu.memref_slice %arg4[%arg0, %arg1, %dma_start3A, %dma_start3A_16] : memref<2x16x80x128xi32, #tpu.memory_space<hbm>> -> memref<1x1x80x128xi32, #tpu.memory_space<hbm>>
      %dma_start3A_18 = tpu.memref_squeeze %dma_start3A_17 : memref<1x1x80x128xi32, #tpu.memory_space<hbm>> -> memref<80x128xi32, #tpu.memory_space<hbm>>
      %dma_start3A_19 = arith.constant 0 : i32
      %dma_start3A_20 = arith.constant 0 : i32
      %dma_start3A_21 = tpu.memref_slice %arg4[%arg0, %arg1, %dma_start3A_19, %dma_start3A_20] : memref<2x16x80x128xi32, #tpu.memory_space<hbm>> -> memref<1x1x80x128xi32, #tpu.memory_space<hbm>>
      %dma_start3A_22 = tpu.memref_squeeze %dma_start3A_21 : memref<1x1x80x128xi32, #tpu.memory_space<hbm>> -> memref<80x128xi32, #tpu.memory_space<hbm>>
      tpu.enqueue_dma source(%dma_start3A_22 : memref<80x128xi32, #tpu.memory_space<hbm>>) target(%arg10 : memref<80x128xi32, #tpu.memory_space<vmem>>) target_semaphore(%run_scoped3A : memref<!tpu.dma_semaphore, #tpu.memory_space<semaphore_mem>>)
      %dma_wait3A = arith.constant 0 : i32
      %dma_wait3A_23 = arith.constant 0 : i32
      %dma_wait3A_24 = tpu.memref_slice %arg4[%arg0, %arg1, %dma_wait3A, %dma_wait3A_23] : memref<2x16x80x128xi32, #tpu.memory_space<hbm>> -> memref<1x1x80x128xi32, #tpu.memory_space<hbm>>
      %dma_wait3A_25 = tpu.memref_squeeze %dma_wait3A_24 : memref<1x1x80x128xi32, #tpu.memory_space<hbm>> -> memref<80x128xi32, #tpu.memory_space<hbm>>
      %dma_wait3A_26 = arith.constant 0 : i32
      %dma_wait3A_27 = arith.constant 0 : i32
      %dma_wait3A_28 = tpu.memref_slice %arg4[%arg0, %arg1, %dma_wait3A_26, %dma_wait3A_27] : memref<2x16x80x128xi32, #tpu.memory_space<hbm>> -> memref<1x1x80x128xi32, #tpu.memory_space<hbm>>
      %dma_wait3A_29 = tpu.memref_squeeze %dma_wait3A_28 : memref<1x1x80x128xi32, #tpu.memory_space<hbm>> -> memref<80x128xi32, #tpu.memory_space<hbm>>
      tpu.wait_dma2 semaphore(%run_scoped3A : memref<!tpu.dma_semaphore, #tpu.memory_space<semaphore_mem>>) src(%dma_wait3A_29 : memref<80x128xi32, #tpu.memory_space<hbm>>) dst(%arg10 : memref<80x128xi32, #tpu.memory_space<vmem>>)
      tpu.yield
    }) : () -> ()
    %scan3A = arith.constant 0 : i32
    %scan3A_7 = arith.constant 80 : i32
    %scan3A_8 = arith.addi %scan3A, %scan3A_7 : i32
    %scan3A_9 = arith.constant 1 : i32
    scf.for %scan3A_16 = %scan3A to %scan3A_8 step %scan3A_9  : i32 {
      %mul3A_17 = arith.constant 1 : i32
      %mul3A_18 = arith.muli %scan3A_16, %mul3A_17 : i32
      %add3A = arith.constant 0 : i32
      %add3A_19 = arith.addi %add3A, %mul3A_18 : i32
      %dma_start3A = arith.constant 0 : i32
      %dma_start3A_20 = tpu.memref_slice %arg9[%add3A_19, %dma_start3A] : memref<80x128xi32, #tpu.memory_space<vmem>> -> memref<1x128xi32, #tpu.memory_space<vmem>>
      %dma_start3A_21 = tpu.memref_squeeze %dma_start3A_20 : memref<1x128xi32, #tpu.memory_space<vmem>> -> memref<128xi32, #tpu.memory_space<vmem>>
      %dma_start3A_22 = arith.constant 0 : i32
      %dma_start3A_23 = arith.constant 0 : i32
      %dma_start3A_24 = tpu.memref_slice %arg8[%dma_start3A_22, %dma_start3A_23] : memref<10000x64xf32, #tpu.memory_space<vmem_shared>> -> memref<10000x64xf32, #tpu.memory_space<vmem_shared>>
      tpu.enqueue_indirect_dma source(%dma_start3A_24 : memref<10000x64xf32, #tpu.memory_space<vmem_shared>>) target(%arg11 : memref<128x64xf32, #tpu.memory_space<vmem>>) offsets(%dma_start3A_21 : memref<128xi32, #tpu.memory_space<vmem>>) semaphore(%arg12 : memref<!tpu.dma_semaphore, #tpu.memory_space<semaphore_mem>>)
      %dma_wait3A = arith.constant 0 : i32
      %dma_wait3A_25 = tpu.memref_slice %arg9[%add3A_19, %dma_wait3A] : memref<80x128xi32, #tpu.memory_space<vmem>> -> memref<1x128xi32, #tpu.memory_space<vmem>>
      %dma_wait3A_26 = tpu.memref_squeeze %dma_wait3A_25 : memref<1x128xi32, #tpu.memory_space<vmem>> -> memref<128xi32, #tpu.memory_space<vmem>>
      %dma_wait3A_27 = arith.constant 0 : i32
      %dma_wait3A_28 = arith.constant 0 : i32
      %dma_wait3A_29 = tpu.memref_slice %arg8[%dma_wait3A_27, %dma_wait3A_28] : memref<10000x64xf32, #tpu.memory_space<vmem_shared>> -> memref<10000x64xf32, #tpu.memory_space<vmem_shared>>
      tpu.wait_indirect_dma semaphore(%arg12 : memref<!tpu.dma_semaphore, #tpu.memory_space<semaphore_mem>>) src(%dma_wait3A_29 : memref<10000x64xf32, #tpu.memory_space<vmem_shared>>) dst(%arg11 : memref<128x64xf32, #tpu.memory_space<vmem>>)
      "tpu.region"() ({
        %run_scoped3A = tpu.sem_alloc : memref<!tpu.dma_semaphore, #tpu.memory_space<semaphore_mem>>
        %dma_start3A_30 = arith.constant 0 : i32
        %dma_start3A_31 = tpu.memref_slice %arg10[%add3A_19, %dma_start3A_30] : memref<80x128xi32, #tpu.memory_space<vmem>> -> memref<1x128xi32, #tpu.memory_space<vmem>>
        %dma_start3A_32 = tpu.memref_squeeze %dma_start3A_31 : memref<1x128xi32, #tpu.memory_space<vmem>> -> memref<128xi32, #tpu.memory_space<vmem>>
        %dma_start3A_33 = arith.constant 0 : i32
        %dma_start3A_34 = arith.constant 0 : i32
        %dma_start3A_35 = tpu.memref_slice %arg7[%dma_start3A_33, %dma_start3A_34] : memref<10240x64xf32, #tpu.memory_space<vmem_shared>> -> memref<10240x64xf32, #tpu.memory_space<vmem_shared>>
        tpu.enqueue_indirect_dma source(%arg11 : memref<128x64xf32, #tpu.memory_space<vmem>>) target(%dma_start3A_35 : memref<10240x64xf32, #tpu.memory_space<vmem_shared>>) offsets(%dma_start3A_32 : memref<128xi32, #tpu.memory_space<vmem>>) semaphore(%run_scoped3A : memref<!tpu.dma_semaphore, #tpu.memory_space<semaphore_mem>>) {add = true}
        %dma_wait3A_36 = arith.constant 0 : i32
        %dma_wait3A_37 = tpu.memref_slice %arg10[%add3A_19, %dma_wait3A_36] : memref<80x128xi32, #tpu.memory_space<vmem>> -> memref<1x128xi32, #tpu.memory_space<vmem>>
        %dma_wait3A_38 = tpu.memref_squeeze %dma_wait3A_37 : memref<1x128xi32, #tpu.memory_space<vmem>> -> memref<128xi32, #tpu.memory_space<vmem>>
        %dma_wait3A_39 = arith.constant 0 : i32
        %dma_wait3A_40 = arith.constant 0 : i32
        %dma_wait3A_41 = tpu.memref_slice %arg7[%dma_wait3A_39, %dma_wait3A_40] : memref<10240x64xf32, #tpu.memory_space<vmem_shared>> -> memref<10240x64xf32, #tpu.memory_space<vmem_shared>>
        tpu.wait_indirect_dma semaphore(%run_scoped3A : memref<!tpu.dma_semaphore, #tpu.memory_space<semaphore_mem>>) src(%arg11 : memref<128x64xf32, #tpu.memory_space<vmem>>) dst(%dma_wait3A_41 : memref<10240x64xf32, #tpu.memory_space<vmem_shared>>)
        tpu.yield
      }) : () -> ()
    }
    %scan3A_10 = arith.constant 80 : i32
    %barrier3A_11 = arith.constant 0 : index
    tpu.barrier barrier_id(%barrier3A_11)
    %mul3A_12 = arith.constant 640 : i32
    %mul3A_13 = arith.muli %arg1, %mul3A_12 : i32
    %mul3A_14 = arith.constant 640 : i32
    %mul3A_15 = arith.muli %arg1, %mul3A_14 : i32
    "tpu.region"() ({
      %run_scoped3A = tpu.sem_alloc : memref<!tpu.dma_semaphore, #tpu.memory_space<semaphore_mem>>
      %dma_start3A = arith.constant 0 : i32
      %dma_start3A_16 = tpu.memref_slice %arg6[%arg0, %mul3A_15, %dma_start3A] : memref<2x10240x64xf32, #tpu.memory_space<hbm>> -> memref<1x640x64xf32, #tpu.memory_space<hbm>>
      %dma_start3A_17 = tpu.memref_squeeze %dma_start3A_16 : memref<1x640x64xf32, #tpu.memory_space<hbm>> -> memref<640x64xf32, #tpu.memory_space<hbm>>
      %dma_start3A_18 = arith.constant 0 : i32
      %dma_start3A_19 = tpu.memref_slice %arg7[%mul3A_13, %dma_start3A_18] : memref<10240x64xf32, #tpu.memory_space<vmem_shared>> -> memref<640x64xf32, #tpu.memory_space<vmem_shared>>
      tpu.enqueue_dma source(%dma_start3A_19 : memref<640x64xf32, #tpu.memory_space<vmem_shared>>) target(%dma_start3A_17 : memref<640x64xf32, #tpu.memory_space<hbm>>) target_semaphore(%run_scoped3A : memref<!tpu.dma_semaphore, #tpu.memory_space<semaphore_mem>>)
      %dma_wait3A = arith.constant 0 : i32
      %dma_wait3A_20 = tpu.memref_slice %arg6[%arg0, %mul3A_15, %dma_wait3A] : memref<2x10240x64xf32, #tpu.memory_space<hbm>> -> memref<1x640x64xf32, #tpu.memory_space<hbm>>
      %dma_wait3A_21 = tpu.memref_squeeze %dma_wait3A_20 : memref<1x640x64xf32, #tpu.memory_space<hbm>> -> memref<640x64xf32, #tpu.memory_space<hbm>>
      %dma_wait3A_22 = arith.constant 0 : i32
      %dma_wait3A_23 = tpu.memref_slice %arg7[%mul3A_13, %dma_wait3A_22] : memref<10240x64xf32, #tpu.memory_space<vmem_shared>> -> memref<640x64xf32, #tpu.memory_space<vmem_shared>>
      tpu.wait_dma2 semaphore(%run_scoped3A : memref<!tpu.dma_semaphore, #tpu.memory_space<semaphore_mem>>) src(%dma_wait3A_23 : memref<640x64xf32, #tpu.memory_space<vmem_shared>>) dst(%dma_wait3A_21 : memref<640x64xf32, #tpu.memory_space<hbm>>)
      tpu.yield
    }) : () -> ()
    return
  }
}

module attributes {stable_mosaic.version = 14 : i64} {
  func.func @_enc_body(%arg0: memref<10000x128xf32, #tpu.memory_space<vmem>>, %arg1: memref<32x1xi32, #tpu.memory_space<vmem>>, %arg2: memref<32x1xf32, #tpu.memory_space<vmem>>, %arg3: memref<512x32xf32, #tpu.memory_space<vmem>>, %arg4: memref<32x64xf32, #tpu.memory_space<vmem>>, %arg5: memref<1x64xf32, #tpu.memory_space<vmem>>, %arg6: memref<1x64xf32, #tpu.memory_space<vmem>>, %arg7: memref<64x64xf32, #tpu.memory_space<vmem>>, %arg8: memref<1x64xf32, #tpu.memory_space<vmem>>, %arg9: memref<128x64xf32, #tpu.memory_space<vmem>>, %arg10: memref<64x64xf32, #tpu.memory_space<vmem>>, %arg11: memref<128x64xf32, #tpu.memory_space<vmem>>, %arg12: memref<64x64xf32, #tpu.memory_space<vmem>>, %arg13: memref<1x64xf32, #tpu.memory_space<vmem>>, %arg14: memref<10000x64xf32, #tpu.memory_space<vmem>>, %arg15: memref<10000x64xf32, #tpu.memory_space<vmem>>) attributes {dimension_semantics = [], scalar_prefetch = 0 : i64, scratch_operands = 0 : i64, tpu.core_type = #tpu.core_type<tc>} {
    %get3A = arith.constant 0 : index
    %get3A_0 = arith.constant 0 : index
    %get3A_1 = vector.load %arg1[%get3A, %get3A_0] : memref<32x1xi32, #tpu.memory_space<vmem>>, vector<32x1xi32>
    %iota3A = tpu.iota {dimensions = array<i32: 1>} : vector<32x512xi32>
    %eq3A = vector.broadcast %get3A_1 : vector<32x1xi32> to vector<32x512xi32>
    %eq3A_2 = arith.cmpi eq, %eq3A, %iota3A : vector<32x512xi32>
    %convert_element_type3A = arith.extui %eq3A_2 : vector<32x512xi1> to vector<32x512xi32>
    %convert_element_type3A_3 = arith.sitofp %convert_element_type3A : vector<32x512xi32> to vector<32x512xf32>
    %get3A_4 = arith.constant 0 : index
    %get3A_5 = arith.constant 0 : index
    %get3A_6 = vector.load %arg3[%get3A_4, %get3A_5] : memref<512x32xf32, #tpu.memory_space<vmem>>, vector<512x32xf32>
    %dot_general3A = arith.constant dense<0.000000e+00> : vector<32x32xf32>
    %dot_general3A_7 = tpu.matmul %convert_element_type3A_3, %get3A_6, %dot_general3A {dimension_numbers = #tpu.dot_dimension_numbers<[1], [0], [0], [1], [0, 0, 1, 1], [], []>, transpose_lhs_hint = false} : vector<32x512xf32>, vector<512x32xf32>, vector<32x32xf32> -> vector<32x32xf32>
    %get3A_8 = arith.constant 0 : index
    %get3A_9 = arith.constant 0 : index
    %get3A_10 = vector.load %arg4[%get3A_8, %get3A_9] : memref<32x64xf32, #tpu.memory_space<vmem>>, vector<32x64xf32>
    %dot_general3A_11 = arith.constant dense<0.000000e+00> : vector<32x64xf32>
    %dot_general3A_12 = tpu.matmul %dot_general3A_7, %get3A_10, %dot_general3A_11 {dimension_numbers = #tpu.dot_dimension_numbers<[1], [0], [0], [1], [0, 0, 1, 1], [], []>, transpose_lhs_hint = false} : vector<32x32xf32>, vector<32x64xf32>, vector<32x64xf32> -> vector<32x64xf32>
    %get3A_13 = arith.constant 0 : index
    %get3A_14 = arith.constant 0 : index
    %get3A_15 = vector.load %arg2[%get3A_13, %get3A_14] : memref<32x1xf32, #tpu.memory_space<vmem>>, vector<32x1xf32>
    %get3A_16 = arith.constant 0 : index
    %get3A_17 = arith.constant 0 : index
    %get3A_18 = vector.load %arg5[%get3A_16, %get3A_17] : memref<1x64xf32, #tpu.memory_space<vmem>>, vector<1x64xf32>
    %mul3A = vector.broadcast %get3A_15 : vector<32x1xf32> to vector<32x64xf32>
    %mul3A_19 = vector.broadcast %get3A_18 : vector<1x64xf32> to vector<32x64xf32>
    %mul3A_20 = arith.mulf %mul3A, %mul3A_19 : vector<32x64xf32>
    %add3A = arith.addf %dot_general3A_12, %mul3A_20 : vector<32x64xf32>
    %get3A_21 = arith.constant 0 : index
    %get3A_22 = arith.constant 0 : index
    %get3A_23 = vector.load %arg6[%get3A_21, %get3A_22] : memref<1x64xf32, #tpu.memory_space<vmem>>, vector<1x64xf32>
    %add3A_24 = vector.broadcast %get3A_23 : vector<1x64xf32> to vector<32x64xf32>
    %add3A_25 = arith.addf %add3A, %add3A_24 : vector<32x64xf32>
    %max3A = arith.constant 0.000000e+00 : f32
    %max3A_26 = vector.broadcast %max3A : f32 to vector<32x64xf32>
    %max3A_27 = arith.maximumf %add3A_25, %max3A_26 : vector<32x64xf32>
    %get3A_28 = arith.constant 0 : index
    %get3A_29 = arith.constant 0 : index
    %get3A_30 = vector.load %arg7[%get3A_28, %get3A_29] : memref<64x64xf32, #tpu.memory_space<vmem>>, vector<64x64xf32>
    %dot_general3A_31 = arith.constant dense<0.000000e+00> : vector<32x64xf32>
    %dot_general3A_32 = tpu.matmul %max3A_27, %get3A_30, %dot_general3A_31 {dimension_numbers = #tpu.dot_dimension_numbers<[1], [0], [0], [1], [0, 0, 1, 1], [], []>, transpose_lhs_hint = false} : vector<32x64xf32>, vector<64x64xf32>, vector<32x64xf32> -> vector<32x64xf32>
    %get3A_33 = arith.constant 0 : index
    %get3A_34 = arith.constant 0 : index
    %get3A_35 = vector.load %arg8[%get3A_33, %get3A_34] : memref<1x64xf32, #tpu.memory_space<vmem>>, vector<1x64xf32>
    %add3A_36 = vector.broadcast %get3A_35 : vector<1x64xf32> to vector<32x64xf32>
    %add3A_37 = arith.addf %dot_general3A_32, %add3A_36 : vector<32x64xf32>
    %reduce_sum3A = arith.constant dense<0.000000e+00> : vector<64xf32>
    %reduce_sum3A_38 = vector.multi_reduction <add>, %add3A_37, %reduce_sum3A [0] : vector<32x64xf32> to vector<64xf32>
    %broadcast_in_dim3A = vector.shape_cast %reduce_sum3A_38 : vector<64xf32> to vector<1x64xf32>
    %div3A = arith.constant 3.200000e+01 : f32
    %div3A_39 = vector.broadcast %div3A : f32 to vector<1x64xf32>
    %div3A_40 = arith.divf %broadcast_in_dim3A, %div3A_39 : vector<1x64xf32>
    %get3A_41 = arith.constant 0 : index
    %get3A_42 = arith.constant 0 : index
    %get3A_43 = vector.load %arg10[%get3A_41, %get3A_42] : memref<64x64xf32, #tpu.memory_space<vmem>>, vector<64x64xf32>
    %dot_general3A_44 = arith.constant dense<0.000000e+00> : vector<1x64xf32>
    %dot_general3A_45 = tpu.matmul %div3A_40, %get3A_43, %dot_general3A_44 {dimension_numbers = #tpu.dot_dimension_numbers<[1], [0], [0], [1], [0, 0, 1, 1], [], []>, transpose_lhs_hint = false} : vector<1x64xf32>, vector<64x64xf32>, vector<1x64xf32> -> vector<1x64xf32>
    %get3A_46 = arith.constant 0 : index
    %get3A_47 = arith.constant 0 : index
    %get3A_48 = vector.load %arg12[%get3A_46, %get3A_47] : memref<64x64xf32, #tpu.memory_space<vmem>>, vector<64x64xf32>
    %dot_general3A_49 = arith.constant dense<0.000000e+00> : vector<1x64xf32>
    %dot_general3A_50 = tpu.matmul %div3A_40, %get3A_48, %dot_general3A_49 {dimension_numbers = #tpu.dot_dimension_numbers<[1], [0], [0], [1], [0, 0, 1, 1], [], []>, transpose_lhs_hint = false} : vector<1x64xf32>, vector<64x64xf32>, vector<1x64xf32> -> vector<1x64xf32>
    %get3A_51 = arith.constant 0 : index
    %get3A_52 = arith.constant 0 : index
    %get3A_53 = vector.load %arg13[%get3A_51, %get3A_52] : memref<1x64xf32, #tpu.memory_space<vmem>>, vector<1x64xf32>
    %add3A_54 = arith.addf %dot_general3A_50, %get3A_53 : vector<1x64xf32>
    %get3A_55 = arith.constant 0 : index
    %get3A_56 = arith.constant 0 : index
    %get3A_57 = vector.load %arg0[%get3A_55, %get3A_56] : memref<10000x128xf32, #tpu.memory_space<vmem>>, vector<10000x128xf32>
    %get3A_58 = arith.constant 0 : index
    %get3A_59 = arith.constant 0 : index
    %get3A_60 = vector.load %arg9[%get3A_58, %get3A_59] : memref<128x64xf32, #tpu.memory_space<vmem>>, vector<128x64xf32>
    %dot_general3A_61 = arith.constant dense<0.000000e+00> : vector<10000x64xf32>
    %dot_general3A_62 = tpu.matmul %get3A_57, %get3A_60, %dot_general3A_61 {dimension_numbers = #tpu.dot_dimension_numbers<[1], [0], [0], [1], [0, 0, 1, 1], [], []>, transpose_lhs_hint = false} : vector<10000x128xf32>, vector<128x64xf32>, vector<10000x64xf32> -> vector<10000x64xf32>
    %add3A_63 = vector.broadcast %dot_general3A_45 : vector<1x64xf32> to vector<10000x64xf32>
    %add3A_64 = arith.addf %dot_general3A_62, %add3A_63 : vector<10000x64xf32>
    %swap3A = arith.constant 0 : index
    %swap3A_65 = arith.constant 0 : index
    %swap3A_66 = vector.load %arg14[%swap3A, %swap3A_65] : memref<10000x64xf32, #tpu.memory_space<vmem>>, vector<10000x64xf32>
    tpu.vector_store %arg14[%swap3A, %swap3A_65], %add3A_64 {strides = array<i32>} : memref<10000x64xf32, #tpu.memory_space<vmem>>, vector<10000x64xf32>,
    %get3A_67 = arith.constant 0 : index
    %get3A_68 = arith.constant 0 : index
    %get3A_69 = vector.load %arg11[%get3A_67, %get3A_68] : memref<128x64xf32, #tpu.memory_space<vmem>>, vector<128x64xf32>
    %dot_general3A_70 = arith.constant dense<0.000000e+00> : vector<10000x64xf32>
    %dot_general3A_71 = tpu.matmul %get3A_57, %get3A_69, %dot_general3A_70 {dimension_numbers = #tpu.dot_dimension_numbers<[1], [0], [0], [1], [0, 0, 1, 1], [], []>, transpose_lhs_hint = false} : vector<10000x128xf32>, vector<128x64xf32>, vector<10000x64xf32> -> vector<10000x64xf32>
    %add3A_72 = vector.broadcast %add3A_54 : vector<1x64xf32> to vector<10000x64xf32>
    %add3A_73 = arith.addf %dot_general3A_71, %add3A_72 : vector<10000x64xf32>
    %swap3A_74 = arith.constant 0 : index
    %swap3A_75 = arith.constant 0 : index
    %swap3A_76 = vector.load %arg15[%swap3A_74, %swap3A_75] : memref<10000x64xf32, #tpu.memory_space<vmem>>, vector<10000x64xf32>
    tpu.vector_store %arg15[%swap3A_74, %swap3A_75], %add3A_73 {strides = array<i32>} : memref<10000x64xf32, #tpu.memory_space<vmem>>, vector<10000x64xf32>,
    return
  }
}

module attributes {stable_mosaic.version = 14 : i64} {
  func.func @_layer1_body(%arg0: memref<2x10240x64xf32, #tpu.memory_space<vmem>>, %arg1: memref<2x10240x16xf32, #tpu.memory_space<vmem>>, %arg2: memref<10000x64xf32, #tpu.memory_space<vmem>>, %arg3: memref<64x64xf32, #tpu.memory_space<vmem>>, %arg4: memref<64x64xf32, #tpu.memory_space<vmem>>, %arg5: memref<1x64xf32, #tpu.memory_space<vmem>>, %arg6: memref<10000x64xf32, #tpu.memory_space<vmem>>, %arg7: memref<10000x64xf32, #tpu.memory_space<vmem>>, %arg8: memref<10000x1xf32, #tpu.memory_space<vmem>>) attributes {dimension_semantics = [], scalar_prefetch = 0 : i64, scratch_operands = 0 : i64, tpu.core_type = #tpu.core_type<tc>} {
    %get3A = arith.constant 0 : index
    %get3A_0 = arith.constant 0 : index
    %get3A_1 = arith.constant 0 : index
    %get3A_2 = vector.load %arg1[%get3A, %get3A_0, %get3A_1] : memref<2x10240x16xf32, #tpu.memory_space<vmem>>, vector<1x10000x1xf32>
    %get3A_3 = vector.shape_cast %get3A_2 : vector<1x10000x1xf32> to vector<10000x1xf32>
    %get3A_4 = arith.constant 1 : index
    %get3A_5 = arith.constant 0 : index
    %get3A_6 = arith.constant 0 : index
    %get3A_7 = vector.load %arg1[%get3A_4, %get3A_5, %get3A_6] : memref<2x10240x16xf32, #tpu.memory_space<vmem>>, vector<1x10000x1xf32>
    %get3A_8 = vector.shape_cast %get3A_7 : vector<1x10000x1xf32> to vector<10000x1xf32>
    %add3A = arith.addf %get3A_3, %get3A_8 : vector<10000x1xf32>
    %max3A = arith.constant 1.000000e+00 : f32
    %max3A_9 = vector.broadcast %max3A : f32 to vector<10000x1xf32>
    %max3A_10 = arith.maximumf %add3A, %max3A_9 : vector<10000x1xf32>
    %div3A = arith.constant 1.000000e+00 : f32
    %div3A_11 = vector.broadcast %div3A : f32 to vector<10000x1xf32>
    %div3A_12 = arith.divf %div3A_11, %max3A_10 : vector<10000x1xf32>
    %swap3A = arith.constant 0 : index
    %swap3A_13 = arith.constant 0 : index
    %swap3A_14 = vector.load %arg8[%swap3A, %swap3A_13] : memref<10000x1xf32, #tpu.memory_space<vmem>>, vector<10000x1xf32>
    tpu.vector_store %arg8[%swap3A, %swap3A_13], %div3A_12 {strides = array<i32>} : memref<10000x1xf32, #tpu.memory_space<vmem>>, vector<10000x1xf32>,
    %get3A_15 = arith.constant 0 : index
    %get3A_16 = arith.constant 0 : index
    %get3A_17 = arith.constant 0 : index
    %get3A_18 = vector.load %arg0[%get3A_15, %get3A_16, %get3A_17] : memref<2x10240x64xf32, #tpu.memory_space<vmem>>, vector<1x10000x64xf32>
    %get3A_19 = vector.shape_cast %get3A_18 : vector<1x10000x64xf32> to vector<10000x64xf32>
    %get3A_20 = arith.constant 1 : index
    %get3A_21 = arith.constant 0 : index
    %get3A_22 = arith.constant 0 : index
    %get3A_23 = vector.load %arg0[%get3A_20, %get3A_21, %get3A_22] : memref<2x10240x64xf32, #tpu.memory_space<vmem>>, vector<1x10000x64xf32>
    %get3A_24 = vector.shape_cast %get3A_23 : vector<1x10000x64xf32> to vector<10000x64xf32>
    %add3A_25 = arith.addf %get3A_19, %get3A_24 : vector<10000x64xf32>
    %mul3A = vector.broadcast %div3A_12 : vector<10000x1xf32> to vector<10000x64xf32>
    %mul3A_26 = arith.mulf %add3A_25, %mul3A : vector<10000x64xf32>
    %get3A_27 = arith.constant 0 : index
    %get3A_28 = arith.constant 0 : index
    %get3A_29 = vector.load %arg2[%get3A_27, %get3A_28] : memref<10000x64xf32, #tpu.memory_space<vmem>>, vector<10000x64xf32>
    %add3A_30 = arith.addf %mul3A_26, %get3A_29 : vector<10000x64xf32>
    %max3A_31 = arith.constant 0.000000e+00 : f32
    %max3A_32 = vector.broadcast %max3A_31 : f32 to vector<10000x64xf32>
    %max3A_33 = arith.maximumf %add3A_30, %max3A_32 : vector<10000x64xf32>
    %get3A_34 = arith.constant 0 : index
    %get3A_35 = arith.constant 0 : index
    %get3A_36 = vector.load %arg3[%get3A_34, %get3A_35] : memref<64x64xf32, #tpu.memory_space<vmem>>, vector<64x64xf32>
    %dot_general3A = arith.constant dense<0.000000e+00> : vector<10000x64xf32>
    %dot_general3A_37 = tpu.matmul %max3A_33, %get3A_36, %dot_general3A {dimension_numbers = #tpu.dot_dimension_numbers<[1], [0], [0], [1], [0, 0, 1, 1], [], []>, transpose_lhs_hint = false} : vector<10000x64xf32>, vector<64x64xf32>, vector<10000x64xf32> -> vector<10000x64xf32>
    %swap3A_38 = arith.constant 0 : index
    %swap3A_39 = arith.constant 0 : index
    %swap3A_40 = vector.load %arg6[%swap3A_38, %swap3A_39] : memref<10000x64xf32, #tpu.memory_space<vmem>>, vector<10000x64xf32>
    tpu.vector_store %arg6[%swap3A_38, %swap3A_39], %dot_general3A_37 {strides = array<i32>} : memref<10000x64xf32, #tpu.memory_space<vmem>>, vector<10000x64xf32>,
    %get3A_41 = arith.constant 0 : index
    %get3A_42 = arith.constant 0 : index
    %get3A_43 = vector.load %arg4[%get3A_41, %get3A_42] : memref<64x64xf32, #tpu.memory_space<vmem>>, vector<64x64xf32>
    %dot_general3A_44 = arith.constant dense<0.000000e+00> : vector<10000x64xf32>
    %dot_general3A_45 = tpu.matmul %max3A_33, %get3A_43, %dot_general3A_44 {dimension_numbers = #tpu.dot_dimension_numbers<[1], [0], [0], [1], [0, 0, 1, 1], [], []>, transpose_lhs_hint = false} : vector<10000x64xf32>, vector<64x64xf32>, vector<10000x64xf32> -> vector<10000x64xf32>
    %get3A_46 = arith.constant 0 : index
    %get3A_47 = arith.constant 0 : index
    %get3A_48 = vector.load %arg5[%get3A_46, %get3A_47] : memref<1x64xf32, #tpu.memory_space<vmem>>, vector<1x64xf32>
    %add3A_49 = vector.broadcast %get3A_48 : vector<1x64xf32> to vector<10000x64xf32>
    %add3A_50 = arith.addf %dot_general3A_45, %add3A_49 : vector<10000x64xf32>
    %swap3A_51 = arith.constant 0 : index
    %swap3A_52 = arith.constant 0 : index
    %swap3A_53 = vector.load %arg7[%swap3A_51, %swap3A_52] : memref<10000x64xf32, #tpu.memory_space<vmem>>, vector<10000x64xf32>
    tpu.vector_store %arg7[%swap3A_51, %swap3A_52], %add3A_50 {strides = array<i32>} : memref<10000x64xf32, #tpu.memory_space<vmem>>, vector<10000x64xf32>,
    return
  }
}

module attributes {stable_mosaic.version = 14 : i64} {
  func.func @_layer2_body(%arg0: memref<2x10240x64xf32, #tpu.memory_space<vmem>>, %arg1: memref<10000x1xf32, #tpu.memory_space<vmem>>, %arg2: memref<10000x64xf32, #tpu.memory_space<vmem>>, %arg3: memref<64x64xf32, #tpu.memory_space<vmem>>, %arg4: memref<64x64xf32, #tpu.memory_space<vmem>>, %arg5: memref<1x64xf32, #tpu.memory_space<vmem>>, %arg6: memref<10000x64xf32, #tpu.memory_space<vmem>>, %arg7: memref<10000x64xf32, #tpu.memory_space<vmem>>) attributes {dimension_semantics = [], scalar_prefetch = 0 : i64, scratch_operands = 0 : i64, tpu.core_type = #tpu.core_type<tc>} {
    %get3A = arith.constant 0 : index
    %get3A_0 = arith.constant 0 : index
    %get3A_1 = arith.constant 0 : index
    %get3A_2 = vector.load %arg0[%get3A, %get3A_0, %get3A_1] : memref<2x10240x64xf32, #tpu.memory_space<vmem>>, vector<1x10000x64xf32>
    %get3A_3 = vector.shape_cast %get3A_2 : vector<1x10000x64xf32> to vector<10000x64xf32>
    %get3A_4 = arith.constant 1 : index
    %get3A_5 = arith.constant 0 : index
    %get3A_6 = arith.constant 0 : index
    %get3A_7 = vector.load %arg0[%get3A_4, %get3A_5, %get3A_6] : memref<2x10240x64xf32, #tpu.memory_space<vmem>>, vector<1x10000x64xf32>
    %get3A_8 = vector.shape_cast %get3A_7 : vector<1x10000x64xf32> to vector<10000x64xf32>
    %add3A = arith.addf %get3A_3, %get3A_8 : vector<10000x64xf32>
    %get3A_9 = arith.constant 0 : index
    %get3A_10 = arith.constant 0 : index
    %get3A_11 = vector.load %arg1[%get3A_9, %get3A_10] : memref<10000x1xf32, #tpu.memory_space<vmem>>, vector<10000x1xf32>
    %mul3A = vector.broadcast %get3A_11 : vector<10000x1xf32> to vector<10000x64xf32>
    %mul3A_12 = arith.mulf %add3A, %mul3A : vector<10000x64xf32>
    %get3A_13 = arith.constant 0 : index
    %get3A_14 = arith.constant 0 : index
    %get3A_15 = vector.load %arg2[%get3A_13, %get3A_14] : memref<10000x64xf32, #tpu.memory_space<vmem>>, vector<10000x64xf32>
    %add3A_16 = arith.addf %mul3A_12, %get3A_15 : vector<10000x64xf32>
    %max3A = arith.constant 0.000000e+00 : f32
    %max3A_17 = vector.broadcast %max3A : f32 to vector<10000x64xf32>
    %max3A_18 = arith.maximumf %add3A_16, %max3A_17 : vector<10000x64xf32>
    %get3A_19 = arith.constant 0 : index
    %get3A_20 = arith.constant 0 : index
    %get3A_21 = vector.load %arg3[%get3A_19, %get3A_20] : memref<64x64xf32, #tpu.memory_space<vmem>>, vector<64x64xf32>
    %dot_general3A = arith.constant dense<0.000000e+00> : vector<10000x64xf32>
    %dot_general3A_22 = tpu.matmul %max3A_18, %get3A_21, %dot_general3A {dimension_numbers = #tpu.dot_dimension_numbers<[1], [0], [0], [1], [0, 0, 1, 1], [], []>, transpose_lhs_hint = false} : vector<10000x64xf32>, vector<64x64xf32>, vector<10000x64xf32> -> vector<10000x64xf32>
    %swap3A = arith.constant 0 : index
    %swap3A_23 = arith.constant 0 : index
    %swap3A_24 = vector.load %arg6[%swap3A, %swap3A_23] : memref<10000x64xf32, #tpu.memory_space<vmem>>, vector<10000x64xf32>
    tpu.vector_store %arg6[%swap3A, %swap3A_23], %dot_general3A_22 {strides = array<i32>} : memref<10000x64xf32, #tpu.memory_space<vmem>>, vector<10000x64xf32>,
    %get3A_25 = arith.constant 0 : index
    %get3A_26 = arith.constant 0 : index
    %get3A_27 = vector.load %arg4[%get3A_25, %get3A_26] : memref<64x64xf32, #tpu.memory_space<vmem>>, vector<64x64xf32>
    %dot_general3A_28 = arith.constant dense<0.000000e+00> : vector<10000x64xf32>
    %dot_general3A_29 = tpu.matmul %max3A_18, %get3A_27, %dot_general3A_28 {dimension_numbers = #tpu.dot_dimension_numbers<[1], [0], [0], [1], [0, 0, 1, 1], [], []>, transpose_lhs_hint = false} : vector<10000x64xf32>, vector<64x64xf32>, vector<10000x64xf32> -> vector<10000x64xf32>
    %get3A_30 = arith.constant 0 : index
    %get3A_31 = arith.constant 0 : index
    %get3A_32 = vector.load %arg5[%get3A_30, %get3A_31] : memref<1x64xf32, #tpu.memory_space<vmem>>, vector<1x64xf32>
    %add3A_33 = vector.broadcast %get3A_32 : vector<1x64xf32> to vector<10000x64xf32>
    %add3A_34 = arith.addf %dot_general3A_29, %add3A_33 : vector<10000x64xf32>
    %swap3A_35 = arith.constant 0 : index
    %swap3A_36 = arith.constant 0 : index
    %swap3A_37 = vector.load %arg7[%swap3A_35, %swap3A_36] : memref<10000x64xf32, #tpu.memory_space<vmem>>, vector<10000x64xf32>
    tpu.vector_store %arg7[%swap3A_35, %swap3A_36], %add3A_34 {strides = array<i32>} : memref<10000x64xf32, #tpu.memory_space<vmem>>, vector<10000x64xf32>,
    return
  }
}

module attributes {stable_mosaic.version = 14 : i64} {
  func.func @_readout_body(%arg0: memref<2x10240x64xf32, #tpu.memory_space<vmem>>, %arg1: memref<10000x1xf32, #tpu.memory_space<vmem>>, %arg2: memref<10000x64xf32, #tpu.memory_space<vmem>>, %arg3: memref<10000x2xf32, #tpu.memory_space<vmem>>, %arg4: memref<64x64xf32, #tpu.memory_space<vmem>>, %arg5: memref<1x64xf32, #tpu.memory_space<vmem>>, %arg6: memref<64x1xf32, #tpu.memory_space<vmem>>, %arg7: memref<1x1xf32, #tpu.memory_space<vmem>>, %arg8: memref<1x2xf32, #tpu.memory_space<vmem>>, %arg9: memref<10000x1xf32, #tpu.memory_space<vmem>>) attributes {dimension_semantics = [], scalar_prefetch = 0 : i64, scratch_operands = 0 : i64, tpu.core_type = #tpu.core_type<tc>} {
    %get3A = arith.constant 0 : index
    %get3A_0 = arith.constant 0 : index
    %get3A_1 = arith.constant 0 : index
    %get3A_2 = vector.load %arg0[%get3A, %get3A_0, %get3A_1] : memref<2x10240x64xf32, #tpu.memory_space<vmem>>, vector<1x10000x64xf32>
    %get3A_3 = vector.shape_cast %get3A_2 : vector<1x10000x64xf32> to vector<10000x64xf32>
    %get3A_4 = arith.constant 1 : index
    %get3A_5 = arith.constant 0 : index
    %get3A_6 = arith.constant 0 : index
    %get3A_7 = vector.load %arg0[%get3A_4, %get3A_5, %get3A_6] : memref<2x10240x64xf32, #tpu.memory_space<vmem>>, vector<1x10000x64xf32>
    %get3A_8 = vector.shape_cast %get3A_7 : vector<1x10000x64xf32> to vector<10000x64xf32>
    %add3A = arith.addf %get3A_3, %get3A_8 : vector<10000x64xf32>
    %get3A_9 = arith.constant 0 : index
    %get3A_10 = arith.constant 0 : index
    %get3A_11 = vector.load %arg1[%get3A_9, %get3A_10] : memref<10000x1xf32, #tpu.memory_space<vmem>>, vector<10000x1xf32>
    %mul3A = vector.broadcast %get3A_11 : vector<10000x1xf32> to vector<10000x64xf32>
    %mul3A_12 = arith.mulf %add3A, %mul3A : vector<10000x64xf32>
    %get3A_13 = arith.constant 0 : index
    %get3A_14 = arith.constant 0 : index
    %get3A_15 = vector.load %arg2[%get3A_13, %get3A_14] : memref<10000x64xf32, #tpu.memory_space<vmem>>, vector<10000x64xf32>
    %add3A_16 = arith.addf %mul3A_12, %get3A_15 : vector<10000x64xf32>
    %max3A = arith.constant 0.000000e+00 : f32
    %max3A_17 = vector.broadcast %max3A : f32 to vector<10000x64xf32>
    %max3A_18 = arith.maximumf %add3A_16, %max3A_17 : vector<10000x64xf32>
    %get3A_19 = arith.constant 0 : index
    %get3A_20 = arith.constant 0 : index
    %get3A_21 = vector.load %arg4[%get3A_19, %get3A_20] : memref<64x64xf32, #tpu.memory_space<vmem>>, vector<64x64xf32>
    %dot_general3A = arith.constant dense<0.000000e+00> : vector<10000x64xf32>
    %dot_general3A_22 = tpu.matmul %max3A_18, %get3A_21, %dot_general3A {dimension_numbers = #tpu.dot_dimension_numbers<[1], [0], [0], [1], [0, 0, 1, 1], [], []>, transpose_lhs_hint = false} : vector<10000x64xf32>, vector<64x64xf32>, vector<10000x64xf32> -> vector<10000x64xf32>
    %get3A_23 = arith.constant 0 : index
    %get3A_24 = arith.constant 0 : index
    %get3A_25 = vector.load %arg5[%get3A_23, %get3A_24] : memref<1x64xf32, #tpu.memory_space<vmem>>, vector<1x64xf32>
    %add3A_26 = vector.broadcast %get3A_25 : vector<1x64xf32> to vector<10000x64xf32>
    %add3A_27 = arith.addf %dot_general3A_22, %add3A_26 : vector<10000x64xf32>
    %max3A_28 = arith.constant 0.000000e+00 : f32
    %max3A_29 = vector.broadcast %max3A_28 : f32 to vector<10000x64xf32>
    %max3A_30 = arith.maximumf %add3A_27, %max3A_29 : vector<10000x64xf32>
    %get3A_31 = arith.constant 0 : index
    %get3A_32 = arith.constant 0 : index
    %get3A_33 = vector.load %arg6[%get3A_31, %get3A_32] : memref<64x1xf32, #tpu.memory_space<vmem>>, vector<64x1xf32>
    %dot_general3A_34 = arith.constant dense<0.000000e+00> : vector<10000x1xf32>
    %dot_general3A_35 = tpu.matmul %max3A_30, %get3A_33, %dot_general3A_34 {dimension_numbers = #tpu.dot_dimension_numbers<[1], [0], [0], [1], [0, 0, 1, 1], [], []>, transpose_lhs_hint = false} : vector<10000x64xf32>, vector<64x1xf32>, vector<10000x1xf32> -> vector<10000x1xf32>
    %get3A_36 = arith.constant 0 : index
    %get3A_37 = arith.constant 0 : index
    %get3A_38 = vector.load %arg7[%get3A_36, %get3A_37] : memref<1x1xf32, #tpu.memory_space<vmem>>, vector<1x1xf32>
    %add3A_39 = vector.broadcast %get3A_38 : vector<1x1xf32> to vector<10000x1xf32>
    %add3A_40 = arith.addf %dot_general3A_35, %add3A_39 : vector<10000x1xf32>
    %reduce_max3A = vector.shape_cast %add3A_40 : vector<10000x1xf32> to vector<1x10000x1xf32>
    %reduce_max3A_41 = arith.constant dense<0xFF800000> : vector<1xf32>
    %reduce_max3A_42 = vector.multi_reduction <maximumf>, %reduce_max3A, %reduce_max3A_41 [1, 2] : vector<1x10000x1xf32> to vector<1xf32>
    %reduce_max3A_43 = vector.shape_cast %reduce_max3A_42 : vector<1xf32> to vector<1x1x1xf32>
    %reduce_max3A_44 = vector.extract %reduce_max3A_43[0, 0, 0] : f32 from vector<1x1x1xf32>
    %sub3A = vector.broadcast %reduce_max3A_44 : f32 to vector<10000x1xf32>
    %sub3A_45 = arith.subf %add3A_40, %sub3A : vector<10000x1xf32>
    %exp3A = math.exp %sub3A_45 : vector<10000x1xf32>
    %reduce_sum3A = vector.shape_cast %exp3A : vector<10000x1xf32> to vector<1x10000x1xf32>
    %reduce_sum3A_46 = arith.constant dense<0.000000e+00> : vector<1xf32>
    %reduce_sum3A_47 = vector.multi_reduction <add>, %reduce_sum3A, %reduce_sum3A_46 [1, 2] : vector<1x10000x1xf32> to vector<1xf32>
    %reduce_sum3A_48 = vector.shape_cast %reduce_sum3A_47 : vector<1xf32> to vector<1x1x1xf32>
    %reduce_sum3A_49 = vector.extract %reduce_sum3A_48[0, 0, 0] : f32 from vector<1x1x1xf32>
    %div3A = vector.broadcast %reduce_sum3A_49 : f32 to vector<10000x1xf32>
    %div3A_50 = arith.divf %exp3A, %div3A : vector<10000x1xf32>
    %swap3A = arith.constant 0 : index
    %swap3A_51 = arith.constant 0 : index
    %swap3A_52 = vector.load %arg9[%swap3A, %swap3A_51] : memref<10000x1xf32, #tpu.memory_space<vmem>>, vector<10000x1xf32>
    tpu.vector_store %arg9[%swap3A, %swap3A_51], %div3A_50 {strides = array<i32>} : memref<10000x1xf32, #tpu.memory_space<vmem>>, vector<10000x1xf32>,
    %get3A_53 = arith.constant 0 : index
    %get3A_54 = arith.constant 0 : index
    %get3A_55 = vector.load %arg3[%get3A_53, %get3A_54] : memref<10000x2xf32, #tpu.memory_space<vmem>>, vector<10000x2xf32>
    %mul3A_56 = vector.broadcast %div3A_50 : vector<10000x1xf32> to vector<10000x2xf32>
    %mul3A_57 = arith.mulf %mul3A_56, %get3A_55 : vector<10000x2xf32>
    %reduce_sum3A_58 = arith.constant dense<0.000000e+00> : vector<2xf32>
    %reduce_sum3A_59 = vector.multi_reduction <add>, %mul3A_57, %reduce_sum3A_58 [0] : vector<10000x2xf32> to vector<2xf32>
    %broadcast_in_dim3A = vector.shape_cast %reduce_sum3A_59 : vector<2xf32> to vector<1x2xf32>
    %swap3A_60 = arith.constant 0 : index
    %swap3A_61 = arith.constant 0 : index
    %swap3A_62 = vector.load %arg8[%swap3A_60, %swap3A_61] : memref<1x2xf32, #tpu.memory_space<vmem>>, vector<1x2xf32>
    tpu.vector_store %arg8[%swap3A_60, %swap3A_61], %broadcast_in_dim3A {strides = array<i32>} : memref<1x2xf32, #tpu.memory_space<vmem>>, vector<1x2xf32>,
    return
  }
}

</mosaic_0001>

<sc_bundles>
// kernel: kernel.12.cloned.1.call-start
scs
__scs_entry_jumppad:
0x0: {  	(pc) =	sbr.rel $0x88, $3  }
0x1: {  	(tag) =	ssettag $0x0;
	lr =	simm.s32 $0x1  }
0x2: {  	[smem:$0x3F8A] =	sst lr;
	_ =	strace $0xD0000000  }
0x3: {  	_ = 	snop  }
0x4: {  	_ = 	snop  }
0x5: {  	_ = 	snop  }
0x6: {  	_ = 	snop  }
0x7: {  	_ = 	snop  }
__scs_overlays_trampoline_lowered:
0x8: {  	[smem:$0x3F99] =	sst s0  }
0x9: {  	[smem:$0x3F9A] =	sst s1  }
0xa: {  	[smem:$0x3F9B] =	sst s2  }
0xb: {  	[smem:$0x3F9C] =	sst s3  }
0xc: {  	[smem:$0x3F9D] =	sst s4  }
0xd: {  	[smem:$0x3F9E] =	sst s5  }
0xe: {  	[smem:$0x3F9F] =	sst s6  }
0xf: {  	[smem:$0x3FA0] =	sst s7  }
0x10: {  	[smem:$0x3FA1] =	sst s8  }
0x11: {  	[smem:$0x3FA2] =	sst s9;
	s0 =	simm.s32 @!p0 $0x0  }
0x12: {  	s1 =	sld [smem:$0x3F88];
	s0 =	simm.s32 @p0 $0x1  }
0x13: {  	[smem:$0x3FA3] =	sst s0;
	s0 =	simm.s32 @!p1 $0x0  }
0x14: {  	s2 =	sld [smem:$0x3F87];
	s0 =	simm.s32 @p1 $0x1  }
0x15: {  	[smem:$0x3FA4] =	sst s0;
	s0 =	simm.s32 @!p2 $0x0  }
0x16: {  	s3 =	sld [smem:$0x3FDB];
	s0 =	simm.s32 @p2 $0x1  }
0x17: {  	s4 =	simm.s32 $0x1BF5;
	[smem:$0x3FA6] =	sst s0  }
0x18: {  	s0 =	sld [smem:$0x3F89];
	_ =	swait.ge [sflag:s4], $0x0  }
0x19: {  	s7 =	sld [smem:$0x3F8A]  }
0x1a: {  	s8 =	sadd.s32 $0xFFFFE003, lr  }
0x1b: {  	s9 =	sadd.s32 $0xFFFFFEF7, lr;
	s5 =	simm.s32 $0xFFFFFFFF;
	p2 =	slt.u32 s8, $0xFFFFF086  }
0x1c: {  	p1 =	slt.u32 s9, $0xF7A;
	s5 =	simm.s32 @!p2 $0x0  }
0x1d: {  	s5 =	simm.s32 @p1 $0x1;
	p0 =	seq.s32 s7, s2  }
0x1e: {  	s7 =	smul.u32 @!p0 $0xF7A, s2;
	p2 =	seq.s32 @!p0 s5, $0x0  }
0x1f: {  	s9 =	smul.u32 $0xF7A, s1;
	s8 =	simm.s32 @!p0 $0x1BF5;
	p2 =	por !p2, p0  }
0x20: {  	[sflag:s8] =	ssyncset.s32 @!p0 $0xFFFFF086;
	s6 =	sadd.s32 @!p0 s3, s7;
	s7 =	simm.s32 @!p0 $0x108  }
0x21: {  	s3 =	sadd.s32 s3, s9;
	s6 =	sadd.s32 @!p0 $0x88, s6;
	s7 =	simm.s32 @p2 $0x1082  }
0x22: {  	[simem:s7], [sflag:s8] =	dma.local @!p0 [hbm:s6], $0xF7A  }
0x23: {  	s9 =	sor.u32 $0xD0000000, s2;
	s6 =	simm.s32 $0x108;
	_ =	swait.ge @!p0 [sflag:s8], $0x0  }
0x24: {  	s3 =	sadd.s32 $0x88, s3;
	s6 =	simm.s32 @!p1 $0x1082;
	[sflag:s4] =	ssyncset.s32 $0xFFFFF086  }
0x25: {  	[simem:s6], [sflag:s4] =	dma.local [hbm:s3], $0xF7A  }
0x26: {  	[smem:$0x3F8A] =	sst s1;
	(tag) =	ssettag s2;
	_ =	strace s9  }
0x27: {  	s1 =	sld [smem:$0x3F9A]  }
0x28: {  	s2 =	sld [smem:$0x3F9B]  }
0x29: {  	s4 =	sld [smem:$0x3F9D]  }
0x2a: {  	p0 =	seq.s32 s5, $0x0;
	s5 =	sld [smem:$0x3F9E]  }
0x2b: {  	s6 =	sld [smem:$0x3F9F]  }
0x2c: {  	s7 =	sld [smem:$0x3FA0]  }
0x2d: {  	s3 =	simm.s32 $0x108;
	s8 =	sld [smem:$0x3FA1]  }
0x2e: {  	s3 =	simm.s32 @!p0 $0x1082;
	s9 =	sld [smem:$0x3FA2]  }
0x2f: {  	lr =	sadd.s32 s0, s3;
	s0 =	sld [smem:$0x3F99]  }
0x30: {  	s3 =	sld [smem:$0x3F9C]  }
0x31: {  	[smem:$0x3FA5] =	sst s10  }
0x32: {  	s10 =	sld [smem:$0x3FA3];
	_ =	sdelay $0x3  }
0x33: {  	p0 =	seq.s32 s10, $0x1;
	s10 =	sld [smem:$0x3FA5];
	_ =	sdelay $0x3  }
0x34: {  	[smem:$0x3FA5] =	sst s10  }
0x35: {  	s10 =	sld [smem:$0x3FA4];
	_ =	sdelay $0x3  }
0x36: {  	p1 =	seq.s32 s10, $0x1;
	s10 =	sld [smem:$0x3FA5];
	_ =	sdelay $0x3  }
0x37: {  	[smem:$0x3FA5] =	sst s10  }
0x38: {  	s10 =	sld [smem:$0x3FA6]  }
0x39: {  	_ = 	snop;
	(pc) =	sbr.ind lr, $3  }
0x3a: {  	_ = 	snop  }
0x3b: {  	_ = 	snop  }
0x3c: {  	p2 =	seq.s32 s10, $0x1;
	s10 =	sld [smem:$0x3FA5]  }
0x3d: {  	_ =	shalt  }
0x3e: {  	_ =	shalt  }
0x3f: {  	_ =	shalt  }
0x40: {  	_ =	shalt  }
0x41: {  	_ =	shalt  }
0x42: {  	_ =	shalt  }
0x43: {  	_ =	shalt  }
0x44: {  	_ =	shalt  }
0x45: {  	_ =	shalt  }
0x46: {  	_ =	shalt  }
0x47: {  	_ =	shalt  }
0x48: {  	_ =	shalt  }
0x49: {  	_ =	shalt  }
0x4a: {  	_ =	shalt  }
0x4b: {  	_ =	shalt  }
0x4c: {  	_ =	shalt  }
0x4d: {  	_ =	shalt  }
0x4e: {  	_ =	shalt  }
0x4f: {  	_ =	shalt  }
0x50: {  	_ =	shalt  }
0x51: {  	_ =	shalt  }
0x52: {  	_ =	shalt  }
0x53: {  	_ =	shalt  }
0x54: {  	_ =	shalt  }
0x55: {  	_ =	shalt  }
0x56: {  	_ =	shalt  }
0x57: {  	_ =	shalt  }
0x58: {  	_ =	shalt  }
0x59: {  	_ =	shalt  }
0x5a: {  	_ =	shalt  }
0x5b: {  	_ =	shalt  }
0x5c: {  	_ =	shalt  }
0x5d: {  	_ =	shalt  }
0x5e: {  	_ =	shalt  }
0x5f: {  	_ =	shalt  }
0x60: {  	_ =	shalt  }
0x61: {  	_ =	shalt  }
0x62: {  	_ =	shalt  }
0x63: {  	_ =	shalt  }
0x64: {  	_ =	shalt  }
0x65: {  	_ =	shalt  }
0x66: {  	_ =	shalt  }
0x67: {  	_ =	shalt  }
0x68: {  	_ =	shalt  }
0x69: {  	_ =	shalt  }
0x6a: {  	_ =	shalt  }
0x6b: {  	_ =	shalt  }
0x6c: {  	_ =	shalt  }
0x6d: {  	_ =	shalt  }
0x6e: {  	_ =	shalt  }
0x6f: {  	_ =	shalt  }
0x70: {  	_ =	shalt  }
0x71: {  	_ =	shalt  }
0x72: {  	_ =	shalt  }
0x73: {  	_ =	shalt  }
0x74: {  	_ =	shalt  }
0x75: {  	_ =	shalt  }
0x76: {  	_ =	shalt  }
0x77: {  	_ =	shalt  }
0x78: {  	_ =	shalt  }
0x79: {  	_ =	shalt  }
0x7a: {  	_ =	shalt  }
0x7b: {  	_ =	shalt  }
0x7c: {  	_ =	shalt  }
0x7d: {  	_ =	shalt  }
0x7e: {  	_ =	shalt  }
0x7f: {  	_ =	shalt  }
0x80: {  	_ =	shalt  }
0x81: {  	_ =	shalt  }
0x82: {  	_ =	shalt  }
0x83: {  	_ =	shalt  }
0x84: {  	_ =	shalt  }
0x85: {  	_ =	shalt  }
0x86: {  	_ =	shalt  }
0x87: {  	_ =	shalt  }
.Lfunc_end0:
.L_simem_size_0:
called_computation.1_lowered:
.L_overlay_start_0:
0x88: {  	s2 =	sld [smem:$0x3FD9]  }
0x89: {  	s3 =	sld [smem:$0x3FFE];
	_ =	sdelay $0x1  }
0x8a: {  	s1 =	srdreg.scid  }
0x8b: {  	s0 =	sand.u32 $0x1, s1  }
0x8c: {  	s16 =	sshll.u32 s0, $0xA;
	s2 =	sadd.s32 s3, s2  }
0x8d: {  	s2 =	sadd.s32 s2, s16  }
0x8e: {  	[smem:$0x3FB1] =	sst s2  }
0x8f: {  	_ = 	snop  }
0x90: {  	(tm) =	ssettm $0x1  }
0x91: {  	s17 =	sld [smem:$0x3FFB];
	_ =	sdelay $0x3  }
0x92: {  	_ =	strace s17  }
0x93: {  	s2 =	sld [smem:$0x3FFC];
	_ =	sdelay $0x3  }
0x94: {  	_ =	strace s2  }
0x95: {  	s2 =	sld [smem:$0x3FFD];
	_ =	sdelay $0x3  }
0x96: {  	_ =	strace s2  }
0x97: {  	_ =	strace $0x8FFFFFFF  }
0x98: {  	s18 =	sld [smem:$0x3FDB];
	_ =	sdelay $0x1  }
0x99: {  	s19 =	simm.s32 $_scs_section_size  }
0x9a: {  	s4 =	simm.s32 $_size__tile_overlayer_lowered;
	s5 =	simm.s32 $_tile_overlayer_lowered  }
0x9b: {  	s22 =	simm.s32 $0x1BFF;
	s21 =	sshll.u32 s5, $0x1;
	s2 =	sadd.s32 s19, s18  }
0x9c: {  	s6 =	simm.s32 $0x0;
	s20 =	sshll.u32 s4, $0x1;
	s4 =	sadd.s32 s21, s2  }
0x9d: {  	[timem:s6], [sflag:s22] =	dma.local [hbm:s4], s20  }
0x9e: {  	_ =	swait.ge [sflag:s22], s20  }
0x9f: {  	s3 =	ssub.s32 $0x0, s20;
	[sflag:s22] =	ssyncset.done $0x0  }
0xa0: {  	[sflag:s22] =	ssyncadd.s32 s3;
	_ =	sdelay $0x1  }
0xa1: {  	s23 =	simm.s32 $0x1B8B  }
0xa2: {  	_ =	swait.ge [sflag:s23], $0x1  }
0xa3: {  	[sflag:s23] =	ssyncset.done $0x0  }
0xa4: {  	s25 =	simm.s32 $0x1B8E;
	s24 =	sld [smem:$0x3FFE];
	[sflag:s23] =	ssyncadd.s32 $0xFFFFFFFF  }
0xa5: {  	s26 =	simm.s32 $execute0_lowered;
	[smem:$0x3FD2] =	sst s25  }
0xa6: {  	s4 =	sshll.u32 s26, $0x1;
	_ =	strace $0x80000049;
	[dreg:$0x1] =	wrdreg $0xFFFFFFFF  }
0xa7: {  	s28 =	simm.s32 $_size_execute0_lowered;
	s2 =	sadd.s32 s2, s4;
	[dreg:$0x0] =	wrdreg $0x0  }
0xa8: {  	s4 =	sshll.u32 s28, $0x1;
	[dreg:$0x2] =	wrdreg s2  }
0xa9: {  	[dreg:$0x3] =	wrdreg s4  }
0xaa: {  	[dreg:$0x4] =	wrdreg $0xC0  }
0xab: {  	_ =	task [dreg:s6], $0x5FFFF  }
0xac: {  	[dreg:$0x1] =	wrdreg $0xFFFFFFFF  }
0xad: {  	[dreg:$0x0] =	wrdreg $0x60  }
0xae: {  	[dreg:$0x2] =	wrdreg s24  }
0xaf: {  	[dreg:$0x3] =	wrdreg $0x0  }
0xb0: {  	[dreg:$0x4] =	wrdreg $0xA0000  }
0xb1: {  	[dreg:$0x5] =	wrdreg $0x9  }
0xb2: {  	_ =	task.clear_ibuf [dreg:s6], $0x6FFFF;
	_ =	strace $0x90000049  }
0xb3: {  	s29 =	simm.s32 $0x9;
	_ =	strace $0x8000004B  }
0xb4: {  	_ =	swait.ge [sflag:s29], $0x1  }
0xb5: {  	[sflag:s29] =	ssyncadd.s32 $0xFFFFFFFF  }
0xb6: {  	_ =	strace $0x9000004B  }
0xb7: {  	_ =	sfence  }
0xb8: {  	s30 =	sld [smem:$0x0];
	_ =	sdelay $0x2  }
0xb9: {  	s31 =	sshll.u32 s1, $0xD;
	s1 =	sshrl.u32 s1, $0x2  }
0xba: {  	s3 =	sand.u32 $0x4000, s31;
	s1 =	sadd.s32 s1, s30  }
0xbb: {  	s0 =	sor.u32 s3, s0;
	s1 =	sshll.u32 s1, $0x11  }
0xbc: {  	s0 =	sor.u32 s1, s0  }
0xbd: {  	s0 =	sadd.s32 $0x8F2B, s0  }
0xbe: {  	[sflag:s0] =	ssyncadd.remote.s32 $0x1  }
0xbf: {  	_ =	sfence.sel $0xFFFF  }
0xc0: {  	[dreg:$0x0] =	wrdreg $0xFFFFFFFF;
	(pc) =	sbr.abs _section_cstart, $3  }
0xc1: {  	[dreg:$0x1] =	wrdreg $0xFFFFFFFF  }
0xc2: {  	_ =	task.clear_ibuf [dreg:s6], $0x2FFFF;
	_ =	strace $0x9FFFFFFF  }
0xc3: {  	(tm) =	ssettm $0x7FFFFFFF  }
tec
execute0_lowered:
.L_overlay_start_1:
0x0: {  	(tag) =	ssettag $0x1  }
0x1: {  	s5 =	rddreg [dreg:$0x0]  }
0x2: {  	s2 =	rddreg [dreg:$0x1]  }
0x3: {  	s0 =	srdreg.scid;
	s3 =	rddreg [dreg:$0x2]  }
0x4: {  	s1 =	rddreg [dreg:$0x3];
	s6 =	sand.u32 $0x1, s0  }
0x5: {  	s0 =	stileid.u32;
	s7 =	smul.u32 $0x28000, s6  }
0x6: {  	s4 =	simm.s32 $0x0;
	s16 =	simm.s32 $0x16440;
	s8 =	smul.u32 $0x2800, s0  }
0x7: {  	s17 =	simm.s32 $0x80;
	s18 =	simm.s32 $0x18C40;
	s9 =	smul.u32 $0x9C40, s0  }
0x8: {  	s19 =	simm.s32 $0x1;
	s20 =	simm.s32 $0x0;
	s29 =	smul.u32 $0xA000, s0  }
0x9: {  	[smem:$0x7FF] =	sst s4;
	s11 =	smul.u32 $0xA0000, s6;
	s6 =	ssub.s32 $0x2, s6  }
0xa: {  	_ =	strace $0x8000004A;
	s31 =	sshll.u32 s0, $0x6;
	s13 =	sshrl.u32 s6, $0x1  }
0xb: {  	s7 =	sadd.s32 s8, s7;
	s10 =	sshrl.u32 s9, $0x3;
	s30 =	sshrl.u32 s29, $0x3  }
0xc: {  	s11 =	sadd.s32 s29, s11;
	s13 =	ssub.s32 s6, s13;
	s14 =	sadd.s32 s29, s2  }
0xd: {  	s6 =	sor.u32 $0x1C02, s31;
	s15 =	sadd.s32 s9, s3;
	s7 =	sshrl.u32 s7, $0x3  }
0xe: {  	s11 =	sshrl.u32 s11, $0x3;
	s12 =	sadd.s32 s7, s5;
	s7 =	sadd.s32 s30, s5  }
0xf: {  	s10 =	sadd.s32 s10, s5;
	s11 =	sadd.s32 s11, s5;
	s5 =	sadd.s32 $0x2BA00, s7  }
0x10: {  	s7 =	sadd.s32 $0x4000, s10;
	s8 =	sadd.s32 $0x21A00, s12;
	s9 =	sadd.s32 $0x17A00, s12  }
0x11: {  	s10 =	sadd.s32 $0x3FA00, s11;
	s11 =	smax.u32 s13, $0x1;
	s12 =	sshrl.u32 s14, $0x3  }
0x12: {  	s13 =	simm.s32 $0x2;
	s14 =	sshrl.u32 s15, $0x3;
	s15 =	simm.s32 $0x13C40  }
.LBB2_1:
0x13: {  	[spmem:s12], [sflag:s6] =	dma.local [hbm:s5], $0x1400  }
0x14: {  	_ =	swait.ge [sflag:s13], $0x1400  }
0x15: {  	[sflag:s13] =	ssyncset.done $0x0  }
0x16: {  	[sflag:s13] =	ssyncadd.s32 $0xFFFFEC00  }
0x17: {  	[spmem:s14], [sflag:s6] =	dma.local [hbm:s7], $0x1388  }
0x18: {  	_ =	swait.ge [sflag:s13], $0x1388  }
0x19: {  	[sflag:s13] =	ssyncset.done $0x0  }
0x1a: {  	[sflag:s13] =	ssyncadd.s32 $0xFFFFEC78  }
0x1b: {  	[bflag:$0x0] =	sbarrier.arrive $0xFFFF  }
0x1c: {  	[tilespmem:s15], [sflag:$0x2] =	stream.linear.gather [hbm4b:s8+s4], $0x2800, $0x38;
	[tilespmem:$0x1AC40] =	vst v63  }
0x1d: {  	_ =	swait.ge [sflag:s13], $0x2800  }
0x1e: {  	[sflag:s13] =	ssyncset.done $0x0  }
0x1f: {  	[sflag:s13] =	ssyncadd.s32 $0xFFFFD800  }
0x20: {  	[tilespmem:s16], [sflag:$0x2] =	stream.linear.gather [hbm4b:s9+s4], $0x2800, $0x38;
	[tilespmem:$0x1AC40] =	vst v63  }
0x21: {  	_ =	swait.ge [sflag:s13], $0x2800  }
0x22: {  	[sflag:s13] =	ssyncset.done $0x0  }
0x23: {  	s21 =	simm.s32 $0x13C40;
	[sflag:s13] =	ssyncadd.s32 $0xFFFFD800  }
0x24: {  	[tilespmem:s18], [sflag:$0x1] =	stream.indirect.gather [spmem:s3], $0x40, s21, s17, $0xb8;
	[tilespmem:$0x1AC40] =	vst v63  }
0x25: {  	_ =	swait.ge [sflag:s19], $0x2000  }
0x26: {  	[sflag:s19] =	ssyncset.done $0x0  }
0x27: {  	s31 =	simm.s32 $0x16440;
	[sflag:s19] =	ssyncadd.s32 $0xFFFFE000  }
0x28: {  	[spmem:s2] =	stream.indirect.scatter.add.f32 [tilespmem:s18], [sflag:$0x2], $0x40, s31, s17, $0xb8;
	[tilespmem:$0x1AC40] =	vst v63  }
0x29: {  	_ =	swait.ge [sflag:s13], $0x2000  }
0x2a: {  	s22 =	simm.s32 $0x400;
	s21 =	simm.s32 $0x80;
	[sflag:s13] =	ssyncset.done $0x0  }
.LBB2_2:
0x2b: {  	s23 =	sadd.s32 $0x13C40, s21  }
0x2c: {  	[sflag:s13] =	ssyncadd.s32 $0xFFFFE000;
	s24 =	smov.u32 s22;
	s25 =	sadd.s32 $0x200, s22  }
0x2d: {  	[tilespmem:s18], [sflag:$0x1] =	stream.indirect.gather [spmem:s3], $0x40, s23, s17, $0xb8;
	[tilespmem:$0x1AC40] =	vst v63  }
0x2e: {  	p0 =	sne.s32 s22, $0x9E00;
	_ =	swait.ge [sflag:s19], $0x2000  }
.Ltmp0:
0x2f: {  	[sflag:s19] =	ssyncset.done $0x0;
	(pc) =	sbr.rel @p0 .LBB2_2-.Ltmp0, $4  }
0x30: {  	s21 =	sadd.s32 $0x16440, s21;
	[sflag:s19] =	ssyncadd.s32 $0xFFFFE000  }
0x31: {  	[spmem:s2] =	stream.indirect.scatter.add.f32 [tilespmem:s18], [sflag:$0x2], $0x40, s21, s17, $0xb8;
	[tilespmem:$0x1AC40] =	vst v63  }
0x32: {  	_ =	swait.ge [sflag:s13], $0x2000  }
0x33: {  	s22 =	smov.u32 s25;
	s21 =	sshra.s32 s24, $0x2;
	[sflag:s13] =	ssyncset.done $0x0  }
0x34: {  	s22 =	sadd.s32 $0x13C40, s21;
	[sflag:s13] =	ssyncadd.s32 $0xFFFFE000  }
0x35: {  	[tilespmem:s18], [sflag:$0x1] =	stream.indirect.gather [spmem:s3], $0x40, s22, s17, $0xb8;
	[tilespmem:$0x1AC40] =	vst v63  }
0x36: {  	_ =	swait.ge [sflag:s19], $0x2000  }
0x37: {  	[sflag:s19] =	ssyncset.done $0x0  }
0x38: {  	s31 =	sadd.s32 $0x16440, s21;
	[sflag:s19] =	ssyncadd.s32 $0xFFFFE000  }
0x39: {  	[spmem:s2] =	stream.indirect.scatter.add.f32 [tilespmem:s18], [sflag:$0x2], $0x40, s31, s17, $0xb8;
	[tilespmem:$0x1AC40] =	vst v63  }
0x3a: {  	_ =	swait.ge [sflag:s13], $0x2000  }
0x3b: {  	s20 =	sadd.s32 $0x1, s20;
	[sflag:s13] =	ssyncset.done $0x0  }
0x3c: {  	p0 =	sne.s32 s20, s11;
	[sflag:s13] =	ssyncadd.s32 $0xFFFFE000  }
.Ltmp1:
0x3d: {  	[bflag:$0x0] =	sbarrier.arrive $0xFFFF;
	(pc) =	sbr.rel @p0 .LBB2_1-.Ltmp1, $4  }
0x3e: {  	[hbm:s10], [sflag:s6] =	dma.local [spmem:s12], $0x1400  }
0x3f: {  	_ =	swait.ge [sflag:s13], $0x1400  }
0x40: {  	[sflag:s13] =	ssyncset.done $0x0  }
0x41: {  	[sflag:s13] =	ssyncadd.s32 $0xFFFFEC00  }
0x42: {  	_ =	sfence.sel $0x180000  }
0x43: {  	[bflag:$0x0] =	sbarrier.arrive $0xFFFF  }
0x44: {  	p0 =	sne.s32 s0, $0x0;
	_ =	strace $0x9000004A  }
0x45: {  	s0 =	sadd.s32 @!p0 $0x100000, s1;
	[bflag:$0x2] =	sbarrier.arrive $0xFFFF  }
0x46: {  	[sflag:s0] =	ssyncadd.tile.s32 @!p0 $0x1;
	_ =	shalt  }
.Lfunc_end2:
_tile_overlayer_lowered:
.L_overlay_start_2:
0x47: {  	(tag) =	ssettag $0x2  }
0x48: {  	s0 =	rddreg [dreg:$0x0];
	s2 =	stileid.u32  }
0x49: {  	s1 =	rddreg [dreg:$0x1];
	p0 =	sne.s32 s2, $0x0  }
0x4a: {  	s3 =	rddreg [dreg:$0x2];
	[bflag:$0x3] =	sbarrier.arrive $0xFFFF;
	s2 =	simm.s32 @!p0 $0x1C02  }
0x4b: {  	[timem:s3], [sflag:s2] =	dma.local @!p0 [hbm:s0], s1  }
0x4c: {  	s0 =	simm.s32 @!p0 $0x2  }
0x4d: {  	_ =	swait.ge @!p0 [sflag:s0], s1  }
0x4e: {  	s1 =	ssub.s32 @!p0 $0x0, s1;
	[sflag:s0] =	ssyncset.done @!p0 $0x0  }
0x4f: {  	[sflag:s0] =	ssyncadd.s32 @!p0 s1  }
0x50: {  	[bflag:$0x3] =	sbarrier.arrive $0xFFFF  }
0x51: {  	_ =	shalt  }

// kernel: kernel.15.cloned.1.call-start
scs
__scs_entry_jumppad:
0x0: {  	(pc) =	sbr.rel $0x88, $3  }
0x1: {  	(tag) =	ssettag $0x0;
	lr =	simm.s32 $0x1  }
0x2: {  	[smem:$0x3F8A] =	sst lr;
	_ =	strace $0xD0000000  }
0x3: {  	_ = 	snop  }
0x4: {  	_ = 	snop  }
0x5: {  	_ = 	snop  }
0x6: {  	_ = 	snop  }
0x7: {  	_ = 	snop  }
__scs_overlays_trampoline_lowered:
0x8: {  	[smem:$0x3F99] =	sst s0  }
0x9: {  	[smem:$0x3F9A] =	sst s1  }
0xa: {  	[smem:$0x3F9B] =	sst s2  }
0xb: {  	[smem:$0x3F9C] =	sst s3  }
0xc: {  	[smem:$0x3F9D] =	sst s4  }
0xd: {  	[smem:$0x3F9E] =	sst s5  }
0xe: {  	[smem:$0x3F9F] =	sst s6  }
0xf: {  	[smem:$0x3FA0] =	sst s7  }
0x10: {  	[smem:$0x3FA1] =	sst s8  }
0x11: {  	[smem:$0x3FA2] =	sst s9;
	s0 =	simm.s32 @!p0 $0x0  }
0x12: {  	s1 =	sld [smem:$0x3F88];
	s0 =	simm.s32 @p0 $0x1  }
0x13: {  	[smem:$0x3FA3] =	sst s0;
	s0 =	simm.s32 @!p1 $0x0  }
0x14: {  	s2 =	sld [smem:$0x3F87];
	s0 =	simm.s32 @p1 $0x1  }
0x15: {  	[smem:$0x3FA4] =	sst s0;
	s0 =	simm.s32 @!p2 $0x0  }
0x16: {  	s3 =	sld [smem:$0x3FDB];
	s0 =	simm.s32 @p2 $0x1  }
0x17: {  	s4 =	simm.s32 $0x1BF5;
	[smem:$0x3FA6] =	sst s0  }
0x18: {  	s0 =	sld [smem:$0x3F89];
	_ =	swait.ge [sflag:s4], $0x0  }
0x19: {  	s7 =	sld [smem:$0x3F8A]  }
0x1a: {  	s8 =	sadd.s32 $0xFFFFE003, lr  }
0x1b: {  	s9 =	sadd.s32 $0xFFFFFEF7, lr;
	s5 =	simm.s32 $0xFFFFFFFF;
	p2 =	slt.u32 s8, $0xFFFFF086  }
0x1c: {  	p1 =	slt.u32 s9, $0xF7A;
	s5 =	simm.s32 @!p2 $0x0  }
0x1d: {  	s5 =	simm.s32 @p1 $0x1;
	p0 =	seq.s32 s7, s2  }
0x1e: {  	s7 =	smul.u32 @!p0 $0xF7A, s2;
	p2 =	seq.s32 @!p0 s5, $0x0  }
0x1f: {  	s9 =	smul.u32 $0xF7A, s1;
	s8 =	simm.s32 @!p0 $0x1BF5;
	p2 =	por !p2, p0  }
0x20: {  	[sflag:s8] =	ssyncset.s32 @!p0 $0xFFFFF086;
	s6 =	sadd.s32 @!p0 s3, s7;
	s7 =	simm.s32 @!p0 $0x108  }
0x21: {  	s3 =	sadd.s32 s3, s9;
	s6 =	sadd.s32 @!p0 $0x88, s6;
	s7 =	simm.s32 @p2 $0x1082  }
0x22: {  	[simem:s7], [sflag:s8] =	dma.local @!p0 [hbm:s6], $0xF7A  }
0x23: {  	s9 =	sor.u32 $0xD0000000, s2;
	s6 =	simm.s32 $0x108;
	_ =	swait.ge @!p0 [sflag:s8], $0x0  }
0x24: {  	s3 =	sadd.s32 $0x88, s3;
	s6 =	simm.s32 @!p1 $0x1082;
	[sflag:s4] =	ssyncset.s32 $0xFFFFF086  }
0x25: {  	[simem:s6], [sflag:s4] =	dma.local [hbm:s3], $0xF7A  }
0x26: {  	[smem:$0x3F8A] =	sst s1;
	(tag) =	ssettag s2;
	_ =	strace s9  }
0x27: {  	s1 =	sld [smem:$0x3F9A]  }
0x28: {  	s2 =	sld [smem:$0x3F9B]  }
0x29: {  	s4 =	sld [smem:$0x3F9D]  }
0x2a: {  	p0 =	seq.s32 s5, $0x0;
	s5 =	sld [smem:$0x3F9E]  }
0x2b: {  	s6 =	sld [smem:$0x3F9F]  }
0x2c: {  	s7 =	sld [smem:$0x3FA0]  }
0x2d: {  	s3 =	simm.s32 $0x108;
	s8 =	sld [smem:$0x3FA1]  }
0x2e: {  	s3 =	simm.s32 @!p0 $0x1082;
	s9 =	sld [smem:$0x3FA2]  }
0x2f: {  	lr =	sadd.s32 s0, s3;
	s0 =	sld [smem:$0x3F99]  }
0x30: {  	s3 =	sld [smem:$0x3F9C]  }
0x31: {  	[smem:$0x3FA5] =	sst s10  }
0x32: {  	s10 =	sld [smem:$0x3FA3];
	_ =	sdelay $0x3  }
0x33: {  	p0 =	seq.s32 s10, $0x1;
	s10 =	sld [smem:$0x3FA5];
	_ =	sdelay $0x3  }
0x34: {  	[smem:$0x3FA5] =	sst s10  }
0x35: {  	s10 =	sld [smem:$0x3FA4];
	_ =	sdelay $0x3  }
0x36: {  	p1 =	seq.s32 s10, $0x1;
	s10 =	sld [smem:$0x3FA5];
	_ =	sdelay $0x3  }
0x37: {  	[smem:$0x3FA5] =	sst s10  }
0x38: {  	s10 =	sld [smem:$0x3FA6]  }
0x39: {  	_ = 	snop;
	(pc) =	sbr.ind lr, $3  }
0x3a: {  	_ = 	snop  }
0x3b: {  	_ = 	snop  }
0x3c: {  	p2 =	seq.s32 s10, $0x1;
	s10 =	sld [smem:$0x3FA5]  }
0x3d: {  	_ =	shalt  }
0x3e: {  	_ =	shalt  }
0x3f: {  	_ =	shalt  }
0x40: {  	_ =	shalt  }
0x41: {  	_ =	shalt  }
0x42: {  	_ =	shalt  }
0x43: {  	_ =	shalt  }
0x44: {  	_ =	shalt  }
0x45: {  	_ =	shalt  }
0x46: {  	_ =	shalt  }
0x47: {  	_ =	shalt  }
0x48: {  	_ =	shalt  }
0x49: {  	_ =	shalt  }
0x4a: {  	_ =	shalt  }
0x4b: {  	_ =	shalt  }
0x4c: {  	_ =	shalt  }
0x4d: {  	_ =	shalt  }
0x4e: {  	_ =	shalt  }
0x4f: {  	_ =	shalt  }
0x50: {  	_ =	shalt  }
0x51: {  	_ =	shalt  }
0x52: {  	_ =	shalt  }
0x53: {  	_ =	shalt  }
0x54: {  	_ =	shalt  }
0x55: {  	_ =	shalt  }
0x56: {  	_ =	shalt  }
0x57: {  	_ =	shalt  }
0x58: {  	_ =	shalt  }
0x59: {  	_ =	shalt  }
0x5a: {  	_ =	shalt  }
0x5b: {  	_ =	shalt  }
0x5c: {  	_ =	shalt  }
0x5d: {  	_ =	shalt  }
0x5e: {  	_ =	shalt  }
0x5f: {  	_ =	shalt  }
0x60: {  	_ =	shalt  }
0x61: {  	_ =	shalt  }
0x62: {  	_ =	shalt  }
0x63: {  	_ =	shalt  }
0x64: {  	_ =	shalt  }
0x65: {  	_ =	shalt  }
0x66: {  	_ =	shalt  }
0x67: {  	_ =	shalt  }
0x68: {  	_ =	shalt  }
0x69: {  	_ =	shalt  }
0x6a: {  	_ =	shalt  }
0x6b: {  	_ =	shalt  }
0x6c: {  	_ =	shalt  }
0x6d: {  	_ =	shalt  }
0x6e: {  	_ =	shalt  }
0x6f: {  	_ =	shalt  }
0x70: {  	_ =	shalt  }
0x71: {  	_ =	shalt  }
0x72: {  	_ =	shalt  }
0x73: {  	_ =	shalt  }
0x74: {  	_ =	shalt  }
0x75: {  	_ =	shalt  }
0x76: {  	_ =	shalt  }
0x77: {  	_ =	shalt  }
0x78: {  	_ =	shalt  }
0x79: {  	_ =	shalt  }
0x7a: {  	_ =	shalt  }
0x7b: {  	_ =	shalt  }
0x7c: {  	_ =	shalt  }
0x7d: {  	_ =	shalt  }
0x7e: {  	_ =	shalt  }
0x7f: {  	_ =	shalt  }
0x80: {  	_ =	shalt  }
0x81: {  	_ =	shalt  }
0x82: {  	_ =	shalt  }
0x83: {  	_ =	shalt  }
0x84: {  	_ =	shalt  }
0x85: {  	_ =	shalt  }
0x86: {  	_ =	shalt  }
0x87: {  	_ =	shalt  }
.Lfunc_end0:
.L_simem_size_0:
called_computation.2_lowered:
.L_overlay_start_0:
0x88: {  	s2 =	sld [smem:$0x3FD9]  }
0x89: {  	s3 =	sld [smem:$0x3FFE];
	_ =	sdelay $0x1  }
0x8a: {  	s1 =	srdreg.scid  }
0x8b: {  	s0 =	sand.u32 $0x1, s1  }
0x8c: {  	s16 =	sshll.u32 s0, $0xA;
	s2 =	sadd.s32 s3, s2  }
0x8d: {  	s2 =	sadd.s32 s2, s16  }
0x8e: {  	[smem:$0x3FB1] =	sst s2  }
0x8f: {  	_ = 	snop  }
0x90: {  	(tm) =	ssettm $0x1  }
0x91: {  	s17 =	sld [smem:$0x3FFB];
	_ =	sdelay $0x3  }
0x92: {  	_ =	strace s17  }
0x93: {  	s2 =	sld [smem:$0x3FFC];
	_ =	sdelay $0x3  }
0x94: {  	_ =	strace s2  }
0x95: {  	s2 =	sld [smem:$0x3FFD];
	_ =	sdelay $0x3  }
0x96: {  	_ =	strace s2  }
0x97: {  	_ =	strace $0x8FFFFFFF  }
0x98: {  	s18 =	sld [smem:$0x3FDB];
	_ =	sdelay $0x1  }
0x99: {  	s19 =	simm.s32 $_scs_section_size  }
0x9a: {  	s4 =	simm.s32 $_size__tile_overlayer_lowered;
	s5 =	simm.s32 $_tile_overlayer_lowered  }
0x9b: {  	s22 =	simm.s32 $0x1BFF;
	s21 =	sshll.u32 s5, $0x1;
	s2 =	sadd.s32 s19, s18  }
0x9c: {  	s6 =	simm.s32 $0x0;
	s20 =	sshll.u32 s4, $0x1;
	s4 =	sadd.s32 s21, s2  }
0x9d: {  	[timem:s6], [sflag:s22] =	dma.local [hbm:s4], s20  }
0x9e: {  	_ =	swait.ge [sflag:s22], s20  }
0x9f: {  	s3 =	ssub.s32 $0x0, s20;
	[sflag:s22] =	ssyncset.done $0x0  }
0xa0: {  	[sflag:s22] =	ssyncadd.s32 s3;
	_ =	sdelay $0x1  }
0xa1: {  	s23 =	simm.s32 $0x1B8B  }
0xa2: {  	_ =	swait.ge [sflag:s23], $0x1  }
0xa3: {  	[sflag:s23] =	ssyncset.done $0x0  }
0xa4: {  	s25 =	simm.s32 $0x1B8E;
	s24 =	sld [smem:$0x3FFE];
	[sflag:s23] =	ssyncadd.s32 $0xFFFFFFFF  }
0xa5: {  	s26 =	simm.s32 $execute0_lowered;
	[smem:$0x3FD2] =	sst s25  }
0xa6: {  	s4 =	sshll.u32 s26, $0x1;
	_ =	strace $0x8000004C;
	[dreg:$0x1] =	wrdreg $0xFFFFFFFF  }
0xa7: {  	s28 =	simm.s32 $_size_execute0_lowered;
	s2 =	sadd.s32 s2, s4;
	[dreg:$0x0] =	wrdreg $0x0  }
0xa8: {  	s4 =	sshll.u32 s28, $0x1;
	[dreg:$0x2] =	wrdreg s2  }
0xa9: {  	[dreg:$0x3] =	wrdreg s4  }
0xaa: {  	[dreg:$0x4] =	wrdreg $0xC0  }
0xab: {  	_ =	task [dreg:s6], $0x5FFFF  }
0xac: {  	[dreg:$0x1] =	wrdreg $0xFFFFFFFF  }
0xad: {  	[dreg:$0x0] =	wrdreg $0x60  }
0xae: {  	[dreg:$0x2] =	wrdreg s24  }
0xaf: {  	[dreg:$0x3] =	wrdreg $0x0  }
0xb0: {  	[dreg:$0x4] =	wrdreg $0xA0000  }
0xb1: {  	[dreg:$0x5] =	wrdreg $0x9  }
0xb2: {  	_ =	task.clear_ibuf [dreg:s6], $0x6FFFF;
	_ =	strace $0x9000004C  }
0xb3: {  	s29 =	simm.s32 $0x9;
	_ =	strace $0x8000004E  }
0xb4: {  	_ =	swait.ge [sflag:s29], $0x1  }
0xb5: {  	[sflag:s29] =	ssyncadd.s32 $0xFFFFFFFF  }
0xb6: {  	_ =	strace $0x9000004E  }
0xb7: {  	_ =	sfence  }
0xb8: {  	s30 =	sld [smem:$0x0];
	_ =	sdelay $0x2  }
0xb9: {  	s31 =	sshll.u32 s1, $0xD;
	s1 =	sshrl.u32 s1, $0x2  }
0xba: {  	s3 =	sand.u32 $0x4000, s31;
	s1 =	sadd.s32 s1, s30  }
0xbb: {  	s0 =	sor.u32 s3, s0;
	s1 =	sshll.u32 s1, $0x11  }
0xbc: {  	s0 =	sor.u32 s1, s0  }
0xbd: {  	s0 =	sadd.s32 $0x8F2B, s0  }
0xbe: {  	[sflag:s0] =	ssyncadd.remote.s32 $0x1  }
0xbf: {  	_ =	sfence.sel $0xFFFF  }
0xc0: {  	[dreg:$0x0] =	wrdreg $0xFFFFFFFF;
	(pc) =	sbr.abs _section_cstart, $3  }
0xc1: {  	[dreg:$0x1] =	wrdreg $0xFFFFFFFF  }
0xc2: {  	_ =	task.clear_ibuf [dreg:s6], $0x2FFFF;
	_ =	strace $0x9FFFFFFF  }
0xc3: {  	(tm) =	ssettm $0x7FFFFFFF  }
tec
execute0_lowered:
.L_overlay_start_1:
0x0: {  	(tag) =	ssettag $0x1  }
0x1: {  	s5 =	rddreg [dreg:$0x0]  }
0x2: {  	s2 =	rddreg [dreg:$0x1]  }
0x3: {  	s0 =	srdreg.scid;
	s3 =	rddreg [dreg:$0x2]  }
0x4: {  	s1 =	rddreg [dreg:$0x3];
	s6 =	sand.u32 $0x1, s0  }
0x5: {  	s0 =	stileid.u32;
	s7 =	smul.u32 $0x28000, s6  }
0x6: {  	s4 =	simm.s32 $0x0;
	s16 =	simm.s32 $0x16440;
	s8 =	smul.u32 $0x2800, s0  }
0x7: {  	s17 =	simm.s32 $0x80;
	s18 =	simm.s32 $0x18C40;
	s9 =	smul.u32 $0x9C40, s0  }
0x8: {  	s19 =	simm.s32 $0x1;
	s20 =	simm.s32 $0x0;
	s29 =	smul.u32 $0xA000, s0  }
0x9: {  	[smem:$0x7FF] =	sst s4;
	s11 =	smul.u32 $0xA0000, s6;
	s6 =	ssub.s32 $0x2, s6  }
0xa: {  	_ =	strace $0x8000004D;
	s31 =	sshll.u32 s0, $0x6;
	s13 =	sshrl.u32 s6, $0x1  }
0xb: {  	s7 =	sadd.s32 s8, s7;
	s10 =	sshrl.u32 s9, $0x3;
	s30 =	sshrl.u32 s29, $0x3  }
0xc: {  	s11 =	sadd.s32 s29, s11;
	s13 =	ssub.s32 s6, s13;
	s14 =	sadd.s32 s29, s2  }
0xd: {  	s6 =	sor.u32 $0x1C02, s31;
	s15 =	sadd.s32 s9, s3;
	s7 =	sshrl.u32 s7, $0x3  }
0xe: {  	s11 =	sshrl.u32 s11, $0x3;
	s12 =	sadd.s32 s7, s5;
	s7 =	sadd.s32 s30, s5  }
0xf: {  	s10 =	sadd.s32 s10, s5;
	s11 =	sadd.s32 s11, s5;
	s5 =	sadd.s32 $0x2BA00, s7  }
0x10: {  	s7 =	sadd.s32 $0x4000, s10;
	s8 =	sadd.s32 $0x21A00, s12;
	s9 =	sadd.s32 $0x17A00, s12  }
0x11: {  	s10 =	sadd.s32 $0x3FA00, s11;
	s11 =	smax.u32 s13, $0x1;
	s12 =	sshrl.u32 s14, $0x3  }
0x12: {  	s13 =	simm.s32 $0x2;
	s14 =	sshrl.u32 s15, $0x3;
	s15 =	simm.s32 $0x13C40  }
.LBB2_1:
0x13: {  	[spmem:s12], [sflag:s6] =	dma.local [hbm:s5], $0x1400  }
0x14: {  	_ =	swait.ge [sflag:s13], $0x1400  }
0x15: {  	[sflag:s13] =	ssyncset.done $0x0  }
0x16: {  	[sflag:s13] =	ssyncadd.s32 $0xFFFFEC00  }
0x17: {  	[spmem:s14], [sflag:s6] =	dma.local [hbm:s7], $0x1388  }
0x18: {  	_ =	swait.ge [sflag:s13], $0x1388  }
0x19: {  	[sflag:s13] =	ssyncset.done $0x0  }
0x1a: {  	[sflag:s13] =	ssyncadd.s32 $0xFFFFEC78  }
0x1b: {  	[bflag:$0x0] =	sbarrier.arrive $0xFFFF  }
0x1c: {  	[tilespmem:s15], [sflag:$0x2] =	stream.linear.gather [hbm4b:s8+s4], $0x2800, $0x38;
	[tilespmem:$0x1AC40] =	vst v63  }
0x1d: {  	_ =	swait.ge [sflag:s13], $0x2800  }
0x1e: {  	[sflag:s13] =	ssyncset.done $0x0  }
0x1f: {  	[sflag:s13] =	ssyncadd.s32 $0xFFFFD800  }
0x20: {  	[tilespmem:s16], [sflag:$0x2] =	stream.linear.gather [hbm4b:s9+s4], $0x2800, $0x38;
	[tilespmem:$0x1AC40] =	vst v63  }
0x21: {  	_ =	swait.ge [sflag:s13], $0x2800  }
0x22: {  	[sflag:s13] =	ssyncset.done $0x0  }
0x23: {  	s21 =	simm.s32 $0x13C40;
	[sflag:s13] =	ssyncadd.s32 $0xFFFFD800  }
0x24: {  	[tilespmem:s18], [sflag:$0x1] =	stream.indirect.gather [spmem:s3], $0x40, s21, s17, $0xb8;
	[tilespmem:$0x1AC40] =	vst v63  }
0x25: {  	_ =	swait.ge [sflag:s19], $0x2000  }
0x26: {  	[sflag:s19] =	ssyncset.done $0x0  }
0x27: {  	s31 =	simm.s32 $0x16440;
	[sflag:s19] =	ssyncadd.s32 $0xFFFFE000  }
0x28: {  	[spmem:s2] =	stream.indirect.scatter.add.f32 [tilespmem:s18], [sflag:$0x2], $0x40, s31, s17, $0xb8;
	[tilespmem:$0x1AC40] =	vst v63  }
0x29: {  	_ =	swait.ge [sflag:s13], $0x2000  }
0x2a: {  	s22 =	simm.s32 $0x400;
	s21 =	simm.s32 $0x80;
	[sflag:s13] =	ssyncset.done $0x0  }
.LBB2_2:
0x2b: {  	s23 =	sadd.s32 $0x13C40, s21  }
0x2c: {  	[sflag:s13] =	ssyncadd.s32 $0xFFFFE000;
	s24 =	smov.u32 s22;
	s25 =	sadd.s32 $0x200, s22  }
0x2d: {  	[tilespmem:s18], [sflag:$0x1] =	stream.indirect.gather [spmem:s3], $0x40, s23, s17, $0xb8;
	[tilespmem:$0x1AC40] =	vst v63  }
0x2e: {  	p0 =	sne.s32 s22, $0x9E00;
	_ =	swait.ge [sflag:s19], $0x2000  }
.Ltmp0:
0x2f: {  	[sflag:s19] =	ssyncset.done $0x0;
	(pc) =	sbr.rel @p0 .LBB2_2-.Ltmp0, $4  }
0x30: {  	s21 =	sadd.s32 $0x16440, s21;
	[sflag:s19] =	ssyncadd.s32 $0xFFFFE000  }
0x31: {  	[spmem:s2] =	stream.indirect.scatter.add.f32 [tilespmem:s18], [sflag:$0x2], $0x40, s21, s17, $0xb8;
	[tilespmem:$0x1AC40] =	vst v63  }
0x32: {  	_ =	swait.ge [sflag:s13], $0x2000  }
0x33: {  	s22 =	smov.u32 s25;
	s21 =	sshra.s32 s24, $0x2;
	[sflag:s13] =	ssyncset.done $0x0  }
0x34: {  	s22 =	sadd.s32 $0x13C40, s21;
	[sflag:s13] =	ssyncadd.s32 $0xFFFFE000  }
0x35: {  	[tilespmem:s18], [sflag:$0x1] =	stream.indirect.gather [spmem:s3], $0x40, s22, s17, $0xb8;
	[tilespmem:$0x1AC40] =	vst v63  }
0x36: {  	_ =	swait.ge [sflag:s19], $0x2000  }
0x37: {  	[sflag:s19] =	ssyncset.done $0x0  }
0x38: {  	s31 =	sadd.s32 $0x16440, s21;
	[sflag:s19] =	ssyncadd.s32 $0xFFFFE000  }
0x39: {  	[spmem:s2] =	stream.indirect.scatter.add.f32 [tilespmem:s18], [sflag:$0x2], $0x40, s31, s17, $0xb8;
	[tilespmem:$0x1AC40] =	vst v63  }
0x3a: {  	_ =	swait.ge [sflag:s13], $0x2000  }
0x3b: {  	s20 =	sadd.s32 $0x1, s20;
	[sflag:s13] =	ssyncset.done $0x0  }
0x3c: {  	p0 =	sne.s32 s20, s11;
	[sflag:s13] =	ssyncadd.s32 $0xFFFFE000  }
.Ltmp1:
0x3d: {  	[bflag:$0x0] =	sbarrier.arrive $0xFFFF;
	(pc) =	sbr.rel @p0 .LBB2_1-.Ltmp1, $4  }
0x3e: {  	[hbm:s10], [sflag:s6] =	dma.local [spmem:s12], $0x1400  }
0x3f: {  	_ =	swait.ge [sflag:s13], $0x1400  }
0x40: {  	[sflag:s13] =	ssyncset.done $0x0  }
0x41: {  	[sflag:s13] =	ssyncadd.s32 $0xFFFFEC00  }
0x42: {  	_ =	sfence.sel $0x180000  }
0x43: {  	[bflag:$0x0] =	sbarrier.arrive $0xFFFF  }
0x44: {  	p0 =	sne.s32 s0, $0x0;
	_ =	strace $0x9000004D  }
0x45: {  	s0 =	sadd.s32 @!p0 $0x100000, s1;
	[bflag:$0x2] =	sbarrier.arrive $0xFFFF  }
0x46: {  	[sflag:s0] =	ssyncadd.tile.s32 @!p0 $0x1;
	_ =	shalt  }
.Lfunc_end2:
_tile_overlayer_lowered:
.L_overlay_start_2:
0x47: {  	(tag) =	ssettag $0x2  }
0x48: {  	s0 =	rddreg [dreg:$0x0];
	s2 =	stileid.u32  }
0x49: {  	s1 =	rddreg [dreg:$0x1];
	p0 =	sne.s32 s2, $0x0  }
0x4a: {  	s3 =	rddreg [dreg:$0x2];
	[bflag:$0x3] =	sbarrier.arrive $0xFFFF;
	s2 =	simm.s32 @!p0 $0x1C02  }
0x4b: {  	[timem:s3], [sflag:s2] =	dma.local @!p0 [hbm:s0], s1  }
0x4c: {  	s0 =	simm.s32 @!p0 $0x2  }
0x4d: {  	_ =	swait.ge @!p0 [sflag:s0], s1  }
0x4e: {  	s1 =	ssub.s32 @!p0 $0x0, s1;
	[sflag:s0] =	ssyncset.done @!p0 $0x0  }
0x4f: {  	[sflag:s0] =	ssyncadd.s32 @!p0 s1  }
0x50: {  	[bflag:$0x3] =	sbarrier.arrive $0xFFFF  }
0x51: {  	_ =	shalt  }

// kernel: kernel.9.cloned.1.call-start
scs
__scs_entry_jumppad:
0x0: {  	(pc) =	sbr.rel $0x88, $3  }
0x1: {  	(tag) =	ssettag $0x0;
	lr =	simm.s32 $0x1  }
0x2: {  	[smem:$0x3F8A] =	sst lr;
	_ =	strace $0xD0000000  }
0x3: {  	_ = 	snop  }
0x4: {  	_ = 	snop  }
0x5: {  	_ = 	snop  }
0x6: {  	_ = 	snop  }
0x7: {  	_ = 	snop  }
__scs_overlays_trampoline_lowered:
0x8: {  	[smem:$0x3F99] =	sst s0  }
0x9: {  	[smem:$0x3F9A] =	sst s1  }
0xa: {  	[smem:$0x3F9B] =	sst s2  }
0xb: {  	[smem:$0x3F9C] =	sst s3  }
0xc: {  	[smem:$0x3F9D] =	sst s4  }
0xd: {  	[smem:$0x3F9E] =	sst s5  }
0xe: {  	[smem:$0x3F9F] =	sst s6  }
0xf: {  	[smem:$0x3FA0] =	sst s7  }
0x10: {  	[smem:$0x3FA1] =	sst s8  }
0x11: {  	[smem:$0x3FA2] =	sst s9;
	s0 =	simm.s32 @!p0 $0x0  }
0x12: {  	s1 =	sld [smem:$0x3F88];
	s0 =	simm.s32 @p0 $0x1  }
0x13: {  	[smem:$0x3FA3] =	sst s0;
	s0 =	simm.s32 @!p1 $0x0  }
0x14: {  	s2 =	sld [smem:$0x3F87];
	s0 =	simm.s32 @p1 $0x1  }
0x15: {  	[smem:$0x3FA4] =	sst s0;
	s0 =	simm.s32 @!p2 $0x0  }
0x16: {  	s3 =	sld [smem:$0x3FDB];
	s0 =	simm.s32 @p2 $0x1  }
0x17: {  	s4 =	simm.s32 $0x1BF5;
	[smem:$0x3FA6] =	sst s0  }
0x18: {  	s0 =	sld [smem:$0x3F89];
	_ =	swait.ge [sflag:s4], $0x0  }
0x19: {  	s7 =	sld [smem:$0x3F8A]  }
0x1a: {  	s8 =	sadd.s32 $0xFFFFE003, lr  }
0x1b: {  	s9 =	sadd.s32 $0xFFFFFEF7, lr;
	s5 =	simm.s32 $0xFFFFFFFF;
	p2 =	slt.u32 s8, $0xFFFFF086  }
0x1c: {  	p1 =	slt.u32 s9, $0xF7A;
	s5 =	simm.s32 @!p2 $0x0  }
0x1d: {  	s5 =	simm.s32 @p1 $0x1;
	p0 =	seq.s32 s7, s2  }
0x1e: {  	s7 =	smul.u32 @!p0 $0xF7A, s2;
	p2 =	seq.s32 @!p0 s5, $0x0  }
0x1f: {  	s9 =	smul.u32 $0xF7A, s1;
	s8 =	simm.s32 @!p0 $0x1BF5;
	p2 =	por !p2, p0  }
0x20: {  	[sflag:s8] =	ssyncset.s32 @!p0 $0xFFFFF086;
	s6 =	sadd.s32 @!p0 s3, s7;
	s7 =	simm.s32 @!p0 $0x108  }
0x21: {  	s3 =	sadd.s32 s3, s9;
	s6 =	sadd.s32 @!p0 $0x88, s6;
	s7 =	simm.s32 @p2 $0x1082  }
0x22: {  	[simem:s7], [sflag:s8] =	dma.local @!p0 [hbm:s6], $0xF7A  }
0x23: {  	s9 =	sor.u32 $0xD0000000, s2;
	s6 =	simm.s32 $0x108;
	_ =	swait.ge @!p0 [sflag:s8], $0x0  }
0x24: {  	s3 =	sadd.s32 $0x88, s3;
	s6 =	simm.s32 @!p1 $0x1082;
	[sflag:s4] =	ssyncset.s32 $0xFFFFF086  }
0x25: {  	[simem:s6], [sflag:s4] =	dma.local [hbm:s3], $0xF7A  }
0x26: {  	[smem:$0x3F8A] =	sst s1;
	(tag) =	ssettag s2;
	_ =	strace s9  }
0x27: {  	s1 =	sld [smem:$0x3F9A]  }
0x28: {  	s2 =	sld [smem:$0x3F9B]  }
0x29: {  	s4 =	sld [smem:$0x3F9D]  }
0x2a: {  	p0 =	seq.s32 s5, $0x0;
	s5 =	sld [smem:$0x3F9E]  }
0x2b: {  	s6 =	sld [smem:$0x3F9F]  }
0x2c: {  	s7 =	sld [smem:$0x3FA0]  }
0x2d: {  	s3 =	simm.s32 $0x108;
	s8 =	sld [smem:$0x3FA1]  }
0x2e: {  	s3 =	simm.s32 @!p0 $0x1082;
	s9 =	sld [smem:$0x3FA2]  }
0x2f: {  	lr =	sadd.s32 s0, s3;
	s0 =	sld [smem:$0x3F99]  }
0x30: {  	s3 =	sld [smem:$0x3F9C]  }
0x31: {  	[smem:$0x3FA5] =	sst s10  }
0x32: {  	s10 =	sld [smem:$0x3FA3];
	_ =	sdelay $0x3  }
0x33: {  	p0 =	seq.s32 s10, $0x1;
	s10 =	sld [smem:$0x3FA5];
	_ =	sdelay $0x3  }
0x34: {  	[smem:$0x3FA5] =	sst s10  }
0x35: {  	s10 =	sld [smem:$0x3FA4];
	_ =	sdelay $0x3  }
0x36: {  	p1 =	seq.s32 s10, $0x1;
	s10 =	sld [smem:$0x3FA5];
	_ =	sdelay $0x3  }
0x37: {  	[smem:$0x3FA5] =	sst s10  }
0x38: {  	s10 =	sld [smem:$0x3FA6]  }
0x39: {  	_ = 	snop;
	(pc) =	sbr.ind lr, $3  }
0x3a: {  	_ = 	snop  }
0x3b: {  	_ = 	snop  }
0x3c: {  	p2 =	seq.s32 s10, $0x1;
	s10 =	sld [smem:$0x3FA5]  }
0x3d: {  	_ =	shalt  }
0x3e: {  	_ =	shalt  }
0x3f: {  	_ =	shalt  }
0x40: {  	_ =	shalt  }
0x41: {  	_ =	shalt  }
0x42: {  	_ =	shalt  }
0x43: {  	_ =	shalt  }
0x44: {  	_ =	shalt  }
0x45: {  	_ =	shalt  }
0x46: {  	_ =	shalt  }
0x47: {  	_ =	shalt  }
0x48: {  	_ =	shalt  }
0x49: {  	_ =	shalt  }
0x4a: {  	_ =	shalt  }
0x4b: {  	_ =	shalt  }
0x4c: {  	_ =	shalt  }
0x4d: {  	_ =	shalt  }
0x4e: {  	_ =	shalt  }
0x4f: {  	_ =	shalt  }
0x50: {  	_ =	shalt  }
0x51: {  	_ =	shalt  }
0x52: {  	_ =	shalt  }
0x53: {  	_ =	shalt  }
0x54: {  	_ =	shalt  }
0x55: {  	_ =	shalt  }
0x56: {  	_ =	shalt  }
0x57: {  	_ =	shalt  }
0x58: {  	_ =	shalt  }
0x59: {  	_ =	shalt  }
0x5a: {  	_ =	shalt  }
0x5b: {  	_ =	shalt  }
0x5c: {  	_ =	shalt  }
0x5d: {  	_ =	shalt  }
0x5e: {  	_ =	shalt  }
0x5f: {  	_ =	shalt  }
0x60: {  	_ =	shalt  }
0x61: {  	_ =	shalt  }
0x62: {  	_ =	shalt  }
0x63: {  	_ =	shalt  }
0x64: {  	_ =	shalt  }
0x65: {  	_ =	shalt  }
0x66: {  	_ =	shalt  }
0x67: {  	_ =	shalt  }
0x68: {  	_ =	shalt  }
0x69: {  	_ =	shalt  }
0x6a: {  	_ =	shalt  }
0x6b: {  	_ =	shalt  }
0x6c: {  	_ =	shalt  }
0x6d: {  	_ =	shalt  }
0x6e: {  	_ =	shalt  }
0x6f: {  	_ =	shalt  }
0x70: {  	_ =	shalt  }
0x71: {  	_ =	shalt  }
0x72: {  	_ =	shalt  }
0x73: {  	_ =	shalt  }
0x74: {  	_ =	shalt  }
0x75: {  	_ =	shalt  }
0x76: {  	_ =	shalt  }
0x77: {  	_ =	shalt  }
0x78: {  	_ =	shalt  }
0x79: {  	_ =	shalt  }
0x7a: {  	_ =	shalt  }
0x7b: {  	_ =	shalt  }
0x7c: {  	_ =	shalt  }
0x7d: {  	_ =	shalt  }
0x7e: {  	_ =	shalt  }
0x7f: {  	_ =	shalt  }
0x80: {  	_ =	shalt  }
0x81: {  	_ =	shalt  }
0x82: {  	_ =	shalt  }
0x83: {  	_ =	shalt  }
0x84: {  	_ =	shalt  }
0x85: {  	_ =	shalt  }
0x86: {  	_ =	shalt  }
0x87: {  	_ =	shalt  }
.Lfunc_end0:
.L_simem_size_0:
called_computation_lowered:
.L_overlay_start_0:
0x88: {  	s2 =	sld [smem:$0x3FD9]  }
0x89: {  	s3 =	sld [smem:$0x3FFE];
	_ =	sdelay $0x1  }
0x8a: {  	s1 =	srdreg.scid  }
0x8b: {  	s0 =	sand.u32 $0x1, s1  }
0x8c: {  	s14 =	sshll.u32 s0, $0xA;
	s2 =	sadd.s32 s3, s2  }
0x8d: {  	s2 =	sadd.s32 s2, s14  }
0x8e: {  	[smem:$0x3FB1] =	sst s2  }
0x8f: {  	_ = 	snop  }
0x90: {  	s2 =	sld [smem:$0x3FD0];
	_ =	sdelay $0x2  }
0x91: {  	s15 =	simm.s32 $0xA;
	s4 =	simm.s32 $0x10  }
0x92: {  	[smem:s4], [sflag:s15] =	dma.local [hbm:s2], $0x1  }
0x93: {  	_ =	swait.eq [sflag:s15], $0x1  }
0x94: {  	[sflag:s15] =	ssyncset.done $0x0  }
0x95: {  	[sflag:s15] =	ssyncadd.s32 $0xFFFFFFFF  }
0x96: {  	s16 =	sld [smem:$0x11];
	(tm) =	ssettm $0x1  }
0x97: {  	s17 =	sld [smem:$0x3FFB];
	_ =	sdelay $0x3  }
0x98: {  	_ =	strace s17  }
0x99: {  	s3 =	sld [smem:$0x3FFC];
	_ =	sdelay $0x3  }
0x9a: {  	_ =	strace s3  }
0x9b: {  	s3 =	sld [smem:$0x3FFD];
	_ =	sdelay $0x3  }
0x9c: {  	_ =	strace s3  }
0x9d: {  	_ =	strace $0x8FFFFFFF  }
0x9e: {  	s18 =	sld [smem:$0x3FDB];
	_ =	sdelay $0x1  }
0x9f: {  	s19 =	simm.s32 $_scs_section_size  }
0xa0: {  	s5 =	simm.s32 $_size__tile_overlayer_lowered;
	s6 =	simm.s32 $_tile_overlayer_lowered  }
0xa1: {  	s22 =	simm.s32 $0x1BFF;
	s21 =	sshll.u32 s6, $0x1;
	s3 =	sadd.s32 s19, s18  }
0xa2: {  	s7 =	simm.s32 $0x0;
	s20 =	sshll.u32 s5, $0x1;
	s5 =	sadd.s32 s21, s3  }
0xa3: {  	[timem:s7], [sflag:s22] =	dma.local [hbm:s5], s20  }
0xa4: {  	_ =	swait.ge [sflag:s22], s20  }
0xa5: {  	s4 =	ssub.s32 $0x0, s20;
	[sflag:s22] =	ssyncset.done $0x0  }
0xa6: {  	[sflag:s22] =	ssyncadd.s32 s4;
	_ =	sdelay $0x1  }
0xa7: {  	s23 =	simm.s32 $0x1B8B  }
0xa8: {  	_ =	swait.ge [sflag:s23], $0x1  }
0xa9: {  	[sflag:s23] =	ssyncset.done $0x0  }
0xaa: {  	s25 =	simm.s32 $0x1B8E;
	s24 =	sld [smem:$0x3FFE];
	[sflag:s23] =	ssyncadd.s32 $0xFFFFFFFF  }
0xab: {  	s26 =	simm.s32 $execute0_lowered;
	[smem:$0x3FD2] =	sst s25  }
0xac: {  	s5 =	sshll.u32 s26, $0x1;
	_ =	strace $0x80000046;
	[dreg:$0x1] =	wrdreg $0xFFFFFFFF  }
0xad: {  	s28 =	simm.s32 $_size_execute0_lowered;
	s3 =	sadd.s32 s3, s5;
	[dreg:$0x0] =	wrdreg $0x0  }
0xae: {  	s5 =	sshll.u32 s28, $0x1;
	[dreg:$0x2] =	wrdreg s3  }
0xaf: {  	[dreg:$0x3] =	wrdreg s5  }
0xb0: {  	[dreg:$0x4] =	wrdreg $0xC0  }
0xb1: {  	_ =	task [dreg:s7], $0x5FFFF  }
0xb2: {  	[dreg:$0x1] =	wrdreg $0xFFFFFFFF  }
0xb3: {  	[dreg:$0x0] =	wrdreg $0x60  }
0xb4: {  	[dreg:$0x2] =	wrdreg s24  }
0xb5: {  	[dreg:$0x3] =	wrdreg s16  }
0xb6: {  	[dreg:$0x4] =	wrdreg $0x0  }
0xb7: {  	[dreg:$0x5] =	wrdreg $0xA0000  }
0xb8: {  	[dreg:$0x6] =	wrdreg $0xC8000  }
0xb9: {  	[dreg:$0x7] =	wrdreg $0x9  }
0xba: {  	_ =	task.clear_ibuf [dreg:s7], $0x8FFFF;
	_ =	strace $0x90000046  }
0xbb: {  	s29 =	simm.s32 $0x9;
	_ =	strace $0x80000048  }
0xbc: {  	_ =	swait.ge [sflag:s29], $0x1  }
0xbd: {  	[sflag:s29] =	ssyncadd.s32 $0xFFFFFFFF  }
0xbe: {  	_ =	strace $0x90000048  }
0xbf: {  	_ =	sfence  }
0xc0: {  	s30 =	sld [smem:$0x0];
	_ =	sdelay $0x2  }
0xc1: {  	s31 =	sshll.u32 s1, $0xD;
	s1 =	sshrl.u32 s1, $0x2  }
0xc2: {  	s3 =	sand.u32 $0x4000, s31;
	s1 =	sadd.s32 s1, s30  }
0xc3: {  	s0 =	sor.u32 s3, s0;
	s1 =	sshll.u32 s1, $0x11  }
0xc4: {  	s0 =	sor.u32 s1, s0  }
0xc5: {  	s0 =	sadd.s32 $0x8F2B, s0  }
0xc6: {  	[sflag:s0] =	ssyncadd.remote.s32 $0x1  }
0xc7: {  	_ =	sfence.sel $0xFFFF  }
0xc8: {  	[dreg:$0x0] =	wrdreg $0xFFFFFFFF;
	(pc) =	sbr.abs _section_cstart, $3  }
0xc9: {  	[dreg:$0x1] =	wrdreg $0xFFFFFFFF  }
0xca: {  	_ =	task.clear_ibuf [dreg:s7], $0x2FFFF;
	_ =	strace $0x9FFFFFFF  }
0xcb: {  	(tm) =	ssettm $0x7FFFFFFF  }
tec
execute0_lowered:
.L_overlay_start_1:
0x0: {  	(tag) =	ssettag $0x1  }
0x1: {  	s7 =	rddreg [dreg:$0x0]  }
0x2: {  	s2 =	rddreg [dreg:$0x1]  }
0x3: {  	s3 =	rddreg [dreg:$0x2]  }
0x4: {  	s4 =	rddreg [dreg:$0x3]  }
0x5: {  	s5 =	rddreg [dreg:$0x4];
	s1 =	stileid.u32;
	s6 =	simm.s32 $0x0  }
0x6: {  	s9 =	srdreg.scid;
	s21 =	simm.s32 $0x16440;
	s22 =	simm.s32 $0x18C40  }
0x7: {  	s23 =	simm.s32 $0x80;
	s24 =	simm.s32 $0x1B440;
	s10 =	smul.u32 $0x9C40, s1  }
0x8: {  	s25 =	simm.s32 $0x1;
	s26 =	simm.s32 $0x0;
	s8 =	smul.u32 $0xA000, s1  }
0x9: {  	[smem:$0x7FF] =	sst s6;
	s11 =	smul.u32 $0x2800, s1;
	s9 =	sand.u32 $0x1, s9  }
0xa: {  	s31 =	sshll.u32 s1, $0x6;
	_ =	strace $0x80000047;
	s13 =	smul.u32 $0xA0000, s9  }
0xb: {  	s16 =	smul.u32 $0x28000, s9;
	s9 =	ssub.s32 $0x2, s9;
	s12 =	sshrl.u32 s10, $0x3  }
0xc: {  	s14 =	sshrl.u32 s8, $0x3;
	s15 =	sshrl.u32 s11, $0x3;
	s17 =	sshrl.u32 s9, $0x1  }
0xd: {  	s18 =	sadd.s32 s8, s3;
	s19 =	sadd.s32 s11, s4;
	s20 =	sadd.s32 s10, s5  }
0xe: {  	s12 =	sadd.s32 s12, s7;
	s14 =	sadd.s32 s14, s7;
	s15 =	sadd.s32 s15, s7  }
0xf: {  	s13 =	sadd.s32 s8, s13;
	s16 =	sadd.s32 s11, s16;
	s17 =	ssub.s32 s9, s17  }
0x10: {  	s8 =	sor.u32 $0x1C02, s31;
	s13 =	sshrl.u32 s13, $0x3;
	s16 =	sshrl.u32 s16, $0x3  }
0x11: {  	s9 =	sadd.s32 $0x3FA00, s15;
	s10 =	sadd.s32 $0x4000, s12;
	s15 =	smax.u32 s17, $0x1  }
0x12: {  	s17 =	simm.s32 $0x2;
	s13 =	sadd.s32 s13, s7;
	s16 =	sadd.s32 s16, s7  }
0x13: {  	s7 =	sadd.s32 $0x2BA00, s14;
	s11 =	sadd.s32 $0x21A00, s16;
	s12 =	sadd.s32 $0x17A00, s16  }
0x14: {  	s13 =	sadd.s32 $0x4EA00, s13;
	s14 =	sadd.s32 $0x44A00, s16;
	s16 =	sshrl.u32 s18, $0x3  }
0x15: {  	s18 =	sshrl.u32 s19, $0x3;
	s19 =	sshrl.u32 s20, $0x3;
	s20 =	simm.s32 $0x1D440  }
.LBB2_1:
0x16: {  	[spmem:s16], [sflag:s8] =	dma.local [hbm:s7], $0x1400  }
0x17: {  	_ =	swait.ge [sflag:s17], $0x1400  }
0x18: {  	[sflag:s17] =	ssyncset.done $0x0  }
0x19: {  	[sflag:s17] =	ssyncadd.s32 $0xFFFFEC00  }
0x1a: {  	[spmem:s18], [sflag:s8] =	dma.local [hbm:s9], $0x500  }
0x1b: {  	_ =	swait.ge [sflag:s17], $0x500  }
0x1c: {  	[sflag:s17] =	ssyncset.done $0x0  }
0x1d: {  	[sflag:s17] =	ssyncadd.s32 $0xFFFFFB00  }
0x1e: {  	[spmem:s19], [sflag:s8] =	dma.local [hbm:s10], $0x1388  }
0x1f: {  	_ =	swait.ge [sflag:s17], $0x1388  }
0x20: {  	[sflag:s17] =	ssyncset.done $0x0  }
0x21: {  	[sflag:s17] =	ssyncadd.s32 $0xFFFFEC78  }
0x22: {  	[tilespmem:s20], [sflag:$0x2] =	stream.linear.gather [hbm4b:s2+s6], $0x800, $0x38;
	[tilespmem:$0x1DC40] =	vst v63  }
0x23: {  	_ =	swait.ge [sflag:s17], $0x800  }
0x24: {  	[sflag:s17] =	ssyncset.done $0x0  }
0x25: {  	[sflag:s17] =	ssyncadd.s32 $0xFFFFF800  }
0x26: {  	[bflag:$0x0] =	sbarrier.arrive $0xFFFF  }
0x27: {  	[tilespmem:s21], [sflag:$0x2] =	stream.linear.gather [hbm4b:s11+s6], $0x2800, $0x38;
	[tilespmem:$0x1DC40] =	vst v63  }
0x28: {  	_ =	swait.ge [sflag:s17], $0x2800  }
0x29: {  	[sflag:s17] =	ssyncset.done $0x0  }
0x2a: {  	[sflag:s17] =	ssyncadd.s32 $0xFFFFD800  }
0x2b: {  	[tilespmem:s22], [sflag:$0x2] =	stream.linear.gather [hbm4b:s12+s6], $0x2800, $0x38;
	[tilespmem:$0x1DC40] =	vst v63  }
0x2c: {  	_ =	swait.ge [sflag:s17], $0x2800  }
0x2d: {  	[sflag:s17] =	ssyncset.done $0x0  }
0x2e: {  	s28 =	simm.s32 $0x16440;
	[sflag:s17] =	ssyncadd.s32 $0xFFFFD800  }
0x2f: {  	[tilespmem:s24], [sflag:$0x1] =	stream.indirect.gather [spmem:s5], $0x40, s28, s23, $0xb8;
	[tilespmem:$0x1DC40] =	vst v63  }
0x30: {  	_ =	swait.ge [sflag:s25], $0x2000  }
0x31: {  	[sflag:s25] =	ssyncset.done $0x0  }
0x32: {  	s28 =	simm.s32 $0x18C40;
	[sflag:s25] =	ssyncadd.s32 $0xFFFFE000  }
0x33: {  	[spmem:s3] =	stream.indirect.scatter.add.f32 [tilespmem:s24], [sflag:$0x2], $0x40, s28, s23, $0xb8;
	[tilespmem:$0x1DC40] =	vst v63  }
0x34: {  	_ =	swait.ge [sflag:s17], $0x2000  }
0x35: {  	[sflag:s17] =	ssyncset.done $0x0  }
0x36: {  	[sflag:s17] =	ssyncadd.s32 $0xFFFFE000  }
0x37: {  	[spmem:s4] =	stream.indirect.scatter.add.f32 [tilespmem:s20], [sflag:$0x2], $0x10, s28, s23, $0xb8;
	[tilespmem:$0x1DC40] =	vst v63  }
0x38: {  	_ =	swait.ge [sflag:s17], $0x800  }
0x39: {  	s29 =	simm.s32 $0x400;
	s28 =	simm.s32 $0x80;
	[sflag:s17] =	ssyncset.done $0x0  }
.LBB2_2:
0x3a: {  	s30 =	sadd.s32 $0x16440, s28  }
0x3b: {  	[sflag:s17] =	ssyncadd.s32 $0xFFFFF800;
	s31 =	smov.u32 s29;
	s0 =	sadd.s32 $0x200, s29  }
0x3c: {  	[tilespmem:s24], [sflag:$0x1] =	stream.indirect.gather [spmem:s5], $0x40, s30, s23, $0xb8;
	[tilespmem:$0x1DC40] =	vst v63  }
0x3d: {  	p0 =	sne.s32 s29, $0x9E00;
	_ =	swait.ge [sflag:s25], $0x2000  }
0x3e: {  	[sflag:s25] =	ssyncset.done $0x0  }
0x3f: {  	s28 =	sadd.s32 $0x18C40, s28;
	[sflag:s25] =	ssyncadd.s32 $0xFFFFE000  }
0x40: {  	[spmem:s3] =	stream.indirect.scatter.add.f32 [tilespmem:s24], [sflag:$0x2], $0x40, s28, s23, $0xb8;
	[tilespmem:$0x1DC40] =	vst v63  }
0x41: {  	_ =	swait.ge [sflag:s17], $0x2000  }
.Ltmp0:
0x42: {  	[sflag:s17] =	ssyncset.done $0x0;
	(pc) =	sbr.rel @p0 .LBB2_2-.Ltmp0, $4  }
0x43: {  	[sflag:s17] =	ssyncadd.s32 $0xFFFFE000  }
0x44: {  	[spmem:s4] =	stream.indirect.scatter.add.f32 [tilespmem:s20], [sflag:$0x2], $0x10, s28, s23, $0xb8;
	[tilespmem:$0x1DC40] =	vst v63  }
0x45: {  	_ =	swait.ge [sflag:s17], $0x800  }
0x46: {  	s29 =	smov.u32 s0;
	s28 =	sshra.s32 s31, $0x2;
	[sflag:s17] =	ssyncset.done $0x0  }
0x47: {  	s0 =	sadd.s32 $0x16440, s28;
	[sflag:s17] =	ssyncadd.s32 $0xFFFFF800  }
0x48: {  	[tilespmem:s24], [sflag:$0x1] =	stream.indirect.gather [spmem:s5], $0x40, s0, s23, $0xb8;
	[tilespmem:$0x1DC40] =	vst v63  }
0x49: {  	_ =	swait.ge [sflag:s25], $0x2000  }
0x4a: {  	[sflag:s25] =	ssyncset.done $0x0  }
0x4b: {  	s31 =	sadd.s32 $0x18C40, s28;
	[sflag:s25] =	ssyncadd.s32 $0xFFFFE000  }
0x4c: {  	[spmem:s3] =	stream.indirect.scatter.add.f32 [tilespmem:s24], [sflag:$0x2], $0x40, s31, s23, $0xb8;
	[tilespmem:$0x1DC40] =	vst v63  }
0x4d: {  	_ =	swait.ge [sflag:s17], $0x2000  }
0x4e: {  	[sflag:s17] =	ssyncset.done $0x0  }
0x4f: {  	[sflag:s17] =	ssyncadd.s32 $0xFFFFE000  }
0x50: {  	[spmem:s4] =	stream.indirect.scatter.add.f32 [tilespmem:s20], [sflag:$0x2], $0x10, s31, s23, $0xb8;
	[tilespmem:$0x1DC40] =	vst v63  }
0x51: {  	_ =	swait.ge [sflag:s17], $0x800  }
0x52: {  	[sflag:s17] =	ssyncset.done $0x0  }
0x53: {  	[sflag:s17] =	ssyncadd.s32 $0xFFFFF800  }
0x54: {  	[bflag:$0x0] =	sbarrier.arrive $0xFFFF  }
0x55: {  	[hbm:s13], [sflag:s8] =	dma.local [spmem:s16], $0x1400  }
0x56: {  	s26 =	sadd.s32 $0x1, s26;
	_ =	swait.ge [sflag:s17], $0x1400  }
0x57: {  	p0 =	sne.s32 s26, s15;
	[sflag:s17] =	ssyncset.done $0x0  }
.Ltmp1:
0x58: {  	[sflag:s17] =	ssyncadd.s32 $0xFFFFEC00;
	(pc) =	sbr.rel @p0 .LBB2_1-.Ltmp1, $4  }
0x59: {  	[hbm:s14], [sflag:s8] =	dma.local [spmem:s18], $0x500  }
0x5a: {  	_ =	swait.ge [sflag:s17], $0x500  }
0x5b: {  	[sflag:s17] =	ssyncset.done $0x0  }
0x5c: {  	[sflag:s17] =	ssyncadd.s32 $0xFFFFFB00  }
0x5d: {  	_ =	sfence.sel $0x180000  }
0x5e: {  	[bflag:$0x0] =	sbarrier.arrive $0xFFFF  }
0x5f: {  	_ =	strace $0x90000047  }
0x60: {  	[bflag:$0x2] =	sbarrier.arrive $0xFFFF  }
0x61: {  	p0 =	sne.s32 s1, $0x0;
	s0 =	rddreg [dreg:$0x5]  }
0x62: {  	s0 =	sadd.s32 @!p0 $0x100000, s0  }
0x63: {  	[sflag:s0] =	ssyncadd.tile.s32 @!p0 $0x1;
	_ =	shalt  }
.Lfunc_end2:
_tile_overlayer_lowered:
.L_overlay_start_2:
0x64: {  	(tag) =	ssettag $0x2  }
0x65: {  	s0 =	rddreg [dreg:$0x0];
	s2 =	stileid.u32  }
0x66: {  	s1 =	rddreg [dreg:$0x1];
	p0 =	sne.s32 s2, $0x0  }
0x67: {  	s3 =	rddreg [dreg:$0x2];
	[bflag:$0x3] =	sbarrier.arrive $0xFFFF;
	s2 =	simm.s32 @!p0 $0x1C02  }
0x68: {  	[timem:s3], [sflag:s2] =	dma.local @!p0 [hbm:s0], s1  }
0x69: {  	s0 =	simm.s32 @!p0 $0x2  }
0x6a: {  	_ =	swait.ge @!p0 [sflag:s0], s1  }
0x6b: {  	s1 =	ssub.s32 @!p0 $0x0, s1;
	[sflag:s0] =	ssyncset.done @!p0 $0x0  }
0x6c: {  	[sflag:s0] =	ssyncadd.s32 @!p0 s1  }
0x6d: {  	[bflag:$0x3] =	sbarrier.arrive $0xFFFF  }
0x6e: {  	_ =	shalt  }

</sc_bundles>
